<compile_context>
chip_gen: v7x
topology: tpu7x:2x2x1
jax: 0.10.2.dev20260603
libtpu: 0.0.44.dev20260713+nightly
codegen_flags: <defaults>
</compile_context>

<pallas_src>
import functools

import jax
import jax.numpy as jnp
from jax import lax
from jax.experimental import pallas as pl
from jax.experimental.pallas import tpu as pltpu
from jax.experimental.pallas import tpu_sc as plsc

B = 16384
C = 1001
NADV = 1000
S = 1.0 / NADV

NC, NS, L = 2, 16, 16
NW = NC * NS
PW = B // NW
CH = 32
NCH = PW // CH
NG = CH // L


def _make_sc():
    mesh = plsc.VectorSubcoreMesh(core_axis_name="c", subcore_axis_name="s")

    @functools.partial(
        pl.kernel,
        out_type=jax.ShapeDtypeStruct((B,), jnp.float32),
        mesh=mesh,
        compiler_params=pltpu.CompilerParams(needs_layout_passes=False),
        scratch_types=[
            pltpu.VMEM((CH, C), jnp.float32),
            pltpu.VMEM((CH, C), jnp.float32),
            pltpu.VMEM((PW,), jnp.int32),
            pltpu.VMEM((PW,), jnp.float32),
            pltpu.SemaphoreType.DMA((2,)),
            pltpu.SemaphoreType.DMA,
        ],
    )
    def sc_duelqa(x_hbm, a_hbm, out_hbm, xv0, xv1, av, ov, sems, asem):
        wid = lax.axis_index("s") * NC + lax.axis_index("c")
        base = wid * PW
        pltpu.async_copy(a_hbm.at[pl.ds(base, PW)], av, asem).wait()
        lane = lax.iota(jnp.int32, L)
        zero16 = jnp.zeros((L,), jnp.float32)
        tailm = (lane >= 8).astype(jnp.float32)

        def cp(c, b):
            return pltpu.make_async_copy(
                x_hbm.at[pl.ds(base + c * CH, CH), :],
                xv0 if b == 0 else xv1,
                sems.at[b],
            )

        cp(0, 0).start()
        cp(1, 1).start()

        def _chunk(c, b):
            cp(c, b).wait()
            xb = xv0 if b == 0 else xv1
            for g in range(NG):
                lrows = g * L + lane

                def row_body(r, tvec):
                    row = g * L + r
                    accs = [zero16, zero16, zero16, zero16]
                    for j in range(62):
                        accs[j % 4] = accs[j % 4] + xb[row, pl.ds(j * L, L)]
                    tail = xb[row, pl.ds(984, L)] * tailm
                    acc = (accs[0] + accs[1]) + (accs[2] + accs[3]) + tail
                    t = jnp.sum(acc)
                    oh = (lane == r).astype(jnp.float32)
                    return tvec + t * oh

                tvec = lax.fori_loop(0, L, row_body, zero16)
                off = c * CH + g * L
                a16 = av[pl.ds(off, L)]
                gv = plsc.load_gather(xb, [lrows, a16])
                ov[pl.ds(off, L)] = gv - tvec * jnp.float32(S)

            @pl.when(c + 2 < NCH)
            def _():
                cp(c + 2, b).start()

        def pair_body(pair, carry):
            for b in range(2):
                _chunk(pair * 2 + b, b)
            return carry

        lax.fori_loop(0, NCH // 2, pair_body, 0)
        pltpu.sync_copy(ov, out_hbm.at[pl.ds(base, PW)])

    return sc_duelqa


_SC = _make_sc()


def kernel(x, a):
    a32 = a.reshape(-1).astype(jnp.int32)
    partial = _SC(x, a32)
    return (partial + x[:, NADV])[:, None]

# --- scband reference (transcript-rebuilt; emitter-appended) ---
"""Pipeline reference for scband-duel-qa-51943334478323 (READ-ONLY COPY).

The authoritative reference and input builder live on the scoring server;
editing this copy changes nothing except your own understanding.
"""

import jax, jax.numpy as jnp
import numpy as np


def setup_inputs(seed: int = 0) -> dict:
    key = jax.random.key(seed)
    k1, k2 = jax.random.split(key)
    x = jax.random.normal(k1, (16384, 1001), dtype=jnp.float32)
    a = jax.random.randint(k2, (16384, 1), 0, 1000, dtype=jnp.int64)
    return {"x": x, "a": a}


def reference(x, a):
    # DuelQa: V + A[selected] - mean(A); x[:, -1] is V, x[:, :-1] are advantages.
    B = x.shape[0]
    gathered = x[jnp.arange(B), a.reshape(-1)]
    out = x[:, -1] - jnp.mean(x[:, :-1], axis=1) + gathered
    return out[:, None]

if __name__ == "__main__":
    import jax
    _d = setup_inputs()
    print(jax.jit(kernel)(*tuple(_d.values())))

</pallas_src>

<mosaic_0001>
#map = affine_map<(d0, d1) -> (0, 0)>
#map1 = affine_map<(d0, d1) -> (0)>
module attributes {stable_mosaic.version = 14 : i64} {
  func.func @sc_duelqa(%arg0: i32, %arg1: i32, %arg2: memref<16384x1001xf32, #tpu.memory_space<hbm>>, %arg3: memref<16384xi32, #tpu.memory_space<hbm>>, %arg4: memref<16384xf32, #tpu.memory_space<hbm>>, %arg5: memref<32x1001xf32, #tpu.memory_space<vmem>>, %arg6: memref<32x1001xf32, #tpu.memory_space<vmem>>, %arg7: memref<512xi32, #tpu.memory_space<vmem>>, %arg8: memref<512xf32, #tpu.memory_space<vmem>>, %arg9: memref<2x!tpu.dma_semaphore, #tpu.memory_space<semaphore_mem>>, %arg10: memref<!tpu.dma_semaphore, #tpu.memory_space<semaphore_mem>>) attributes {dimension_semantics = [#tpu.dimension_semantics<core_parallel>, #tpu.dimension_semantics<subcore_parallel>], iteration_bounds = array<i64: 2, 16>, scalar_prefetch = 0 : i64, scratch_operands = 6 : i64, tpu.core_type = #tpu.core_type<sc_vector_subcore>, window_params = [{transform_indices = #map}, {transform_indices = #map1}, {transform_indices = #map1}]} {
    %mul3A = arith.constant 2 : i32
    %mul3A_0 = arith.muli %arg1, %mul3A : i32
    %add3A = arith.addi %mul3A_0, %arg0 : i32
    %mul3A_1 = arith.constant 512 : i32
    %mul3A_2 = arith.muli %add3A, %mul3A_1 : i32
    %dma_start3A = tpu.memref_slice %arg3[%mul3A_2] : memref<16384xi32, #tpu.memory_space<hbm>> -> memref<512xi32, #tpu.memory_space<hbm>>
    %dma_start3A_3 = tpu.memref_slice %arg3[%mul3A_2] : memref<16384xi32, #tpu.memory_space<hbm>> -> memref<512xi32, #tpu.memory_space<hbm>>
    tpu.enqueue_dma source(%dma_start3A_3 : memref<512xi32, #tpu.memory_space<hbm>>) target(%arg7 : memref<512xi32, #tpu.memory_space<vmem>>) target_semaphore(%arg10 : memref<!tpu.dma_semaphore, #tpu.memory_space<semaphore_mem>>)
    %dma_wait3A = tpu.memref_slice %arg3[%mul3A_2] : memref<16384xi32, #tpu.memory_space<hbm>> -> memref<512xi32, #tpu.memory_space<hbm>>
    %dma_wait3A_4 = tpu.memref_slice %arg3[%mul3A_2] : memref<16384xi32, #tpu.memory_space<hbm>> -> memref<512xi32, #tpu.memory_space<hbm>>
    tpu.wait_dma2 semaphore(%arg10 : memref<!tpu.dma_semaphore, #tpu.memory_space<semaphore_mem>>) src(%dma_wait3A_4 : memref<512xi32, #tpu.memory_space<hbm>>) dst(%arg7 : memref<512xi32, #tpu.memory_space<vmem>>)
    %iota3A = tpu.iota {dimensions = array<i32: 0>} : vector<16xi32>
    %broadcast_in_dim3A = arith.constant 0.000000e+00 : f32
    %broadcast_in_dim3A_5 = vector.broadcast %broadcast_in_dim3A : f32 to vector<16xf32>
    %ge3A = arith.constant 8 : i32
    %ge3A_6 = vector.broadcast %ge3A : i32 to vector<16xi32>
    %ge3A_7 = arith.cmpi sge, %iota3A, %ge3A_6 : vector<16xi32>
    %convert_element_type3A = arith.extui %ge3A_7 : vector<16xi1> to vector<16xi32>
    %convert_element_type3A_8 = arith.sitofp %convert_element_type3A : vector<16xi32> to vector<16xf32>
    %add3A_9 = arith.constant 0 : i32
    %add3A_10 = arith.addi %mul3A_2, %add3A_9 : i32
    %dma_start3A_11 = arith.constant 0 : i32
    %dma_start3A_12 = arith.constant 0 : i32
    %dma_start3A_13 = tpu.memref_slice %arg2[%add3A_10, %dma_start3A_12] : memref<16384x1001xf32, #tpu.memory_space<hbm>> -> memref<32x1001xf32, #tpu.memory_space<hbm>>
    %dma_start3A_14 = tpu.memref_slice %arg9[%dma_start3A_11] : memref<2x!tpu.dma_semaphore, #tpu.memory_space<semaphore_mem>> -> memref<1x!tpu.dma_semaphore, #tpu.memory_space<semaphore_mem>>
    %dma_start3A_15 = tpu.memref_squeeze %dma_start3A_14 : memref<1x!tpu.dma_semaphore, #tpu.memory_space<semaphore_mem>> -> memref<!tpu.dma_semaphore, #tpu.memory_space<semaphore_mem>>
    %dma_start3A_16 = arith.constant 0 : i32
    %dma_start3A_17 = tpu.memref_slice %arg2[%add3A_10, %dma_start3A_16] : memref<16384x1001xf32, #tpu.memory_space<hbm>> -> memref<32x1001xf32, #tpu.memory_space<hbm>>
    tpu.enqueue_dma source(%dma_start3A_17 : memref<32x1001xf32, #tpu.memory_space<hbm>>) target(%arg5 : memref<32x1001xf32, #tpu.memory_space<vmem>>) target_semaphore(%dma_start3A_15 : memref<!tpu.dma_semaphore, #tpu.memory_space<semaphore_mem>>)
    %add3A_18 = arith.constant 32 : i32
    %add3A_19 = arith.addi %mul3A_2, %add3A_18 : i32
    %dma_start3A_20 = arith.constant 1 : i32
    %dma_start3A_21 = arith.constant 0 : i32
    %dma_start3A_22 = tpu.memref_slice %arg2[%add3A_19, %dma_start3A_21] : memref<16384x1001xf32, #tpu.memory_space<hbm>> -> memref<32x1001xf32, #tpu.memory_space<hbm>>
    %dma_start3A_23 = tpu.memref_slice %arg9[%dma_start3A_20] : memref<2x!tpu.dma_semaphore, #tpu.memory_space<semaphore_mem>> -> memref<1x!tpu.dma_semaphore, #tpu.memory_space<semaphore_mem>>
    %dma_start3A_24 = tpu.memref_squeeze %dma_start3A_23 : memref<1x!tpu.dma_semaphore, #tpu.memory_space<semaphore_mem>> -> memref<!tpu.dma_semaphore, #tpu.memory_space<semaphore_mem>>
    %dma_start3A_25 = arith.constant 0 : i32
    %dma_start3A_26 = tpu.memref_slice %arg2[%add3A_19, %dma_start3A_25] : memref<16384x1001xf32, #tpu.memory_space<hbm>> -> memref<32x1001xf32, #tpu.memory_space<hbm>>
    tpu.enqueue_dma source(%dma_start3A_26 : memref<32x1001xf32, #tpu.memory_space<hbm>>) target(%arg6 : memref<32x1001xf32, #tpu.memory_space<vmem>>) target_semaphore(%dma_start3A_24 : memref<!tpu.dma_semaphore, #tpu.memory_space<semaphore_mem>>)
    %scan3A = arith.constant 0 : i32
    %scan3A_27 = arith.constant 0 : i32
    %scan3A_28 = arith.constant 8 : i32
    %scan3A_29 = arith.addi %scan3A_27, %scan3A_28 : i32
    %scan3A_30 = arith.constant 1 : i32
    scf.for %scan3A_32 = %scan3A_27 to %scan3A_29 step %scan3A_30  : i32 {
      %mul3A_33 = arith.constant 2 : i32
      %mul3A_34 = arith.muli %scan3A_32, %mul3A_33 : i32
      %add3A_35 = arith.constant 0 : i32
      %add3A_36 = arith.addi %mul3A_34, %add3A_35 : i32
      %mul3A_37 = arith.constant 32 : i32
      %mul3A_38 = arith.muli %add3A_36, %mul3A_37 : i32
      %add3A_39 = arith.addi %mul3A_2, %mul3A_38 : i32
      %dma_wait3A_40 = arith.constant 0 : i32
      %dma_wait3A_41 = arith.constant 0 : i32
      %dma_wait3A_42 = tpu.memref_slice %arg2[%add3A_39, %dma_wait3A_41] : memref<16384x1001xf32, #tpu.memory_space<hbm>> -> memref<32x1001xf32, #tpu.memory_space<hbm>>
      %dma_wait3A_43 = tpu.memref_slice %arg9[%dma_wait3A_40] : memref<2x!tpu.dma_semaphore, #tpu.memory_space<semaphore_mem>> -> memref<1x!tpu.dma_semaphore, #tpu.memory_space<semaphore_mem>>
      %dma_wait3A_44 = tpu.memref_squeeze %dma_wait3A_43 : memref<1x!tpu.dma_semaphore, #tpu.memory_space<semaphore_mem>> -> memref<!tpu.dma_semaphore, #tpu.memory_space<semaphore_mem>>
      %dma_wait3A_45 = arith.constant 0 : i32
      %dma_wait3A_46 = tpu.memref_slice %arg2[%add3A_39, %dma_wait3A_45] : memref<16384x1001xf32, #tpu.memory_space<hbm>> -> memref<32x1001xf32, #tpu.memory_space<hbm>>
      tpu.wait_dma2 semaphore(%dma_wait3A_44 : memref<!tpu.dma_semaphore, #tpu.memory_space<semaphore_mem>>) src(%dma_wait3A_46 : memref<32x1001xf32, #tpu.memory_space<hbm>>) dst(%arg5 : memref<32x1001xf32, #tpu.memory_space<vmem>>)
      %add3A_47 = arith.constant 0 : i32
      %add3A_48 = vector.broadcast %add3A_47 : i32 to vector<16xi32>
      %add3A_49 = arith.addi %add3A_48, %iota3A : vector<16xi32>
      %scan3A_50 = arith.constant 0 : i32
      %scan3A_51 = arith.constant 16 : i32
      %scan3A_52 = arith.addi %scan3A_50, %scan3A_51 : i32
      %scan3A_53 = arith.constant 1 : i32
      %scan3A_54 = scf.for %scan3A_157 = %scan3A_50 to %scan3A_52 step %scan3A_53 iter_args(%scan3A_158 = %broadcast_in_dim3A_5) -> (vector<16xf32>)  : i32 {
        %add3A_159 = arith.constant 0 : i32
        %add3A_160 = arith.addi %add3A_159, %scan3A_157 : i32
        %get3A_161 = arith.index_cast %add3A_160 : i32 to index
        %get3A_162 = arith.constant 0 : index
        %get3A_163 = tpu.vector_load %arg5[%get3A_161, %get3A_162] {strides = array<i32>} : memref<32x1001xf32, #tpu.memory_space<vmem>>, vector<16xf32>,
        %add3A_164 = arith.addf %broadcast_in_dim3A_5, %get3A_163 : vector<16xf32>
        %get3A_165 = arith.index_cast %add3A_160 : i32 to index
        %get3A_166 = arith.constant 16 : index
        %get3A_167 = tpu.vector_load %arg5[%get3A_165, %get3A_166] {strides = array<i32>} : memref<32x1001xf32, #tpu.memory_space<vmem>>, vector<16xf32>,
        %add3A_168 = arith.addf %broadcast_in_dim3A_5, %get3A_167 : vector<16xf32>
        %get3A_169 = arith.index_cast %add3A_160 : i32 to index
        %get3A_170 = arith.constant 32 : index
        %get3A_171 = tpu.vector_load %arg5[%get3A_169, %get3A_170] {strides = array<i32>} : memref<32x1001xf32, #tpu.memory_space<vmem>>, vector<16xf32>,
        %add3A_172 = arith.addf %broadcast_in_dim3A_5, %get3A_171 : vector<16xf32>
        %get3A_173 = arith.index_cast %add3A_160 : i32 to index
        %get3A_174 = arith.constant 48 : index
        %get3A_175 = tpu.vector_load %arg5[%get3A_173, %get3A_174] {strides = array<i32>} : memref<32x1001xf32, #tpu.memory_space<vmem>>, vector<16xf32>,
        %add3A_176 = arith.addf %broadcast_in_dim3A_5, %get3A_175 : vector<16xf32>
        %get3A_177 = arith.index_cast %add3A_160 : i32 to index
        %get3A_178 = arith.constant 64 : index
        %get3A_179 = tpu.vector_load %arg5[%get3A_177, %get3A_178] {strides = array<i32>} : memref<32x1001xf32, #tpu.memory_space<vmem>>, vector<16xf32>,
        %add3A_180 = arith.addf %add3A_164, %get3A_179 : vector<16xf32>
        %get3A_181 = arith.index_cast %add3A_160 : i32 to index
        %get3A_182 = arith.constant 80 : index
        %get3A_183 = tpu.vector_load %arg5[%get3A_181, %get3A_182] {strides = array<i32>} : memref<32x1001xf32, #tpu.memory_space<vmem>>, vector<16xf32>,
        %add3A_184 = arith.addf %add3A_168, %get3A_183 : vector<16xf32>
        %get3A_185 = arith.index_cast %add3A_160 : i32 to index
        %get3A_186 = arith.constant 96 : index
        %get3A_187 = tpu.vector_load %arg5[%get3A_185, %get3A_186] {strides = array<i32>} : memref<32x1001xf32, #tpu.memory_space<vmem>>, vector<16xf32>,
        %add3A_188 = arith.addf %add3A_172, %get3A_187 : vector<16xf32>
        %get3A_189 = arith.index_cast %add3A_160 : i32 to index
        %get3A_190 = arith.constant 112 : index
        %get3A_191 = tpu.vector_load %arg5[%get3A_189, %get3A_190] {strides = array<i32>} : memref<32x1001xf32, #tpu.memory_space<vmem>>, vector<16xf32>,
        %add3A_192 = arith.addf %add3A_176, %get3A_191 : vector<16xf32>
        %get3A_193 = arith.index_cast %add3A_160 : i32 to index
        %get3A_194 = arith.constant 128 : index
        %get3A_195 = tpu.vector_load %arg5[%get3A_193, %get3A_194] {strides = array<i32>} : memref<32x1001xf32, #tpu.memory_space<vmem>>, vector<16xf32>,
        %add3A_196 = arith.addf %add3A_180, %get3A_195 : vector<16xf32>
        %get3A_197 = arith.index_cast %add3A_160 : i32 to index
        %get3A_198 = arith.constant 144 : index
        %get3A_199 = tpu.vector_load %arg5[%get3A_197, %get3A_198] {strides = array<i32>} : memref<32x1001xf32, #tpu.memory_space<vmem>>, vector<16xf32>,
        %add3A_200 = arith.addf %add3A_184, %get3A_199 : vector<16xf32>
        %get3A_201 = arith.index_cast %add3A_160 : i32 to index
        %get3A_202 = arith.constant 160 : index
        %get3A_203 = tpu.vector_load %arg5[%get3A_201, %get3A_202] {strides = array<i32>} : memref<32x1001xf32, #tpu.memory_space<vmem>>, vector<16xf32>,
        %add3A_204 = arith.addf %add3A_188, %get3A_203 : vector<16xf32>
        %get3A_205 = arith.index_cast %add3A_160 : i32 to index
        %get3A_206 = arith.constant 176 : index
        %get3A_207 = tpu.vector_load %arg5[%get3A_205, %get3A_206] {strides = array<i32>} : memref<32x1001xf32, #tpu.memory_space<vmem>>, vector<16xf32>,
        %add3A_208 = arith.addf %add3A_192, %get3A_207 : vector<16xf32>
        %get3A_209 = arith.index_cast %add3A_160 : i32 to index
        %get3A_210 = arith.constant 192 : index
        %get3A_211 = tpu.vector_load %arg5[%get3A_209, %get3A_210] {strides = array<i32>} : memref<32x1001xf32, #tpu.memory_space<vmem>>, vector<16xf32>,
        %add3A_212 = arith.addf %add3A_196, %get3A_211 : vector<16xf32>
        %get3A_213 = arith.index_cast %add3A_160 : i32 to index
        %get3A_214 = arith.constant 208 : index
        %get3A_215 = tpu.vector_load %arg5[%get3A_213, %get3A_214] {strides = array<i32>} : memref<32x1001xf32, #tpu.memory_space<vmem>>, vector<16xf32>,
        %add3A_216 = arith.addf %add3A_200, %get3A_215 : vector<16xf32>
        %get3A_217 = arith.index_cast %add3A_160 : i32 to index
        %get3A_218 = arith.constant 224 : index
        %get3A_219 = tpu.vector_load %arg5[%get3A_217, %get3A_218] {strides = array<i32>} : memref<32x1001xf32, #tpu.memory_space<vmem>>, vector<16xf32>,
        %add3A_220 = arith.addf %add3A_204, %get3A_219 : vector<16xf32>
        %get3A_221 = arith.index_cast %add3A_160 : i32 to index
        %get3A_222 = arith.constant 240 : index
        %get3A_223 = tpu.vector_load %arg5[%get3A_221, %get3A_222] {strides = array<i32>} : memref<32x1001xf32, #tpu.memory_space<vmem>>, vector<16xf32>,
        %add3A_224 = arith.addf %add3A_208, %get3A_223 : vector<16xf32>
        %get3A_225 = arith.index_cast %add3A_160 : i32 to index
        %get3A_226 = arith.constant 256 : index
        %get3A_227 = tpu.vector_load %arg5[%get3A_225, %get3A_226] {strides = array<i32>} : memref<32x1001xf32, #tpu.memory_space<vmem>>, vector<16xf32>,
        %add3A_228 = arith.addf %add3A_212, %get3A_227 : vector<16xf32>
        %get3A_229 = arith.index_cast %add3A_160 : i32 to index
        %get3A_230 = arith.constant 272 : index
        %get3A_231 = tpu.vector_load %arg5[%get3A_229, %get3A_230] {strides = array<i32>} : memref<32x1001xf32, #tpu.memory_space<vmem>>, vector<16xf32>,
        %add3A_232 = arith.addf %add3A_216, %get3A_231 : vector<16xf32>
        %get3A_233 = arith.index_cast %add3A_160 : i32 to index
        %get3A_234 = arith.constant 288 : index
        %get3A_235 = tpu.vector_load %arg5[%get3A_233, %get3A_234] {strides = array<i32>} : memref<32x1001xf32, #tpu.memory_space<vmem>>, vector<16xf32>,
        %add3A_236 = arith.addf %add3A_220, %get3A_235 : vector<16xf32>
        %get3A_237 = arith.index_cast %add3A_160 : i32 to index
        %get3A_238 = arith.constant 304 : index
        %get3A_239 = tpu.vector_load %arg5[%get3A_237, %get3A_238] {strides = array<i32>} : memref<32x1001xf32, #tpu.memory_space<vmem>>, vector<16xf32>,
        %add3A_240 = arith.addf %add3A_224, %get3A_239 : vector<16xf32>
        %get3A_241 = arith.index_cast %add3A_160 : i32 to index
        %get3A_242 = arith.constant 320 : index
        %get3A_243 = tpu.vector_load %arg5[%get3A_241, %get3A_242] {strides = array<i32>} : memref<32x1001xf32, #tpu.memory_space<vmem>>, vector<16xf32>,
        %add3A_244 = arith.addf %add3A_228, %get3A_243 : vector<16xf32>
        %get3A_245 = arith.index_cast %add3A_160 : i32 to index
        %get3A_246 = arith.constant 336 : index
        %get3A_247 = tpu.vector_load %arg5[%get3A_245, %get3A_246] {strides = array<i32>} : memref<32x1001xf32, #tpu.memory_space<vmem>>, vector<16xf32>,
        %add3A_248 = arith.addf %add3A_232, %get3A_247 : vector<16xf32>
        %get3A_249 = arith.index_cast %add3A_160 : i32 to index
        %get3A_250 = arith.constant 352 : index
        %get3A_251 = tpu.vector_load %arg5[%get3A_249, %get3A_250] {strides = array<i32>} : memref<32x1001xf32, #tpu.memory_space<vmem>>, vector<16xf32>,
        %add3A_252 = arith.addf %add3A_236, %get3A_251 : vector<16xf32>
        %get3A_253 = arith.index_cast %add3A_160 : i32 to index
        %get3A_254 = arith.constant 368 : index
        %get3A_255 = tpu.vector_load %arg5[%get3A_253, %get3A_254] {strides = array<i32>} : memref<32x1001xf32, #tpu.memory_space<vmem>>, vector<16xf32>,
        %add3A_256 = arith.addf %add3A_240, %get3A_255 : vector<16xf32>
        %get3A_257 = arith.index_cast %add3A_160 : i32 to index
        %get3A_258 = arith.constant 384 : index
        %get3A_259 = tpu.vector_load %arg5[%get3A_257, %get3A_258] {strides = array<i32>} : memref<32x1001xf32, #tpu.memory_space<vmem>>, vector<16xf32>,
        %add3A_260 = arith.addf %add3A_244, %get3A_259 : vector<16xf32>
        %get3A_261 = arith.index_cast %add3A_160 : i32 to index
        %get3A_262 = arith.constant 400 : index
        %get3A_263 = tpu.vector_load %arg5[%get3A_261, %get3A_262] {strides = array<i32>} : memref<32x1001xf32, #tpu.memory_space<vmem>>, vector<16xf32>,
        %add3A_264 = arith.addf %add3A_248, %get3A_263 : vector<16xf32>
        %get3A_265 = arith.index_cast %add3A_160 : i32 to index
        %get3A_266 = arith.constant 416 : index
        %get3A_267 = tpu.vector_load %arg5[%get3A_265, %get3A_266] {strides = array<i32>} : memref<32x1001xf32, #tpu.memory_space<vmem>>, vector<16xf32>,
        %add3A_268 = arith.addf %add3A_252, %get3A_267 : vector<16xf32>
        %get3A_269 = arith.index_cast %add3A_160 : i32 to index
        %get3A_270 = arith.constant 432 : index
        %get3A_271 = tpu.vector_load %arg5[%get3A_269, %get3A_270] {strides = array<i32>} : memref<32x1001xf32, #tpu.memory_space<vmem>>, vector<16xf32>,
        %add3A_272 = arith.addf %add3A_256, %get3A_271 : vector<16xf32>
        %get3A_273 = arith.index_cast %add3A_160 : i32 to index
        %get3A_274 = arith.constant 448 : index
        %get3A_275 = tpu.vector_load %arg5[%get3A_273, %get3A_274] {strides = array<i32>} : memref<32x1001xf32, #tpu.memory_space<vmem>>, vector<16xf32>,
        %add3A_276 = arith.addf %add3A_260, %get3A_275 : vector<16xf32>
        %get3A_277 = arith.index_cast %add3A_160 : i32 to index
        %get3A_278 = arith.constant 464 : index
        %get3A_279 = tpu.vector_load %arg5[%get3A_277, %get3A_278] {strides = array<i32>} : memref<32x1001xf32, #tpu.memory_space<vmem>>, vector<16xf32>,
        %add3A_280 = arith.addf %add3A_264, %get3A_279 : vector<16xf32>
        %get3A_281 = arith.index_cast %add3A_160 : i32 to index
        %get3A_282 = arith.constant 480 : index
        %get3A_283 = tpu.vector_load %arg5[%get3A_281, %get3A_282] {strides = array<i32>} : memref<32x1001xf32, #tpu.memory_space<vmem>>, vector<16xf32>,
        %add3A_284 = arith.addf %add3A_268, %get3A_283 : vector<16xf32>
        %get3A_285 = arith.index_cast %add3A_160 : i32 to index
        %get3A_286 = arith.constant 496 : index
        %get3A_287 = tpu.vector_load %arg5[%get3A_285, %get3A_286] {strides = array<i32>} : memref<32x1001xf32, #tpu.memory_space<vmem>>, vector<16xf32>,
        %add3A_288 = arith.addf %add3A_272, %get3A_287 : vector<16xf32>
        %get3A_289 = arith.index_cast %add3A_160 : i32 to index
        %get3A_290 = arith.constant 512 : index
        %get3A_291 = tpu.vector_load %arg5[%get3A_289, %get3A_290] {strides = array<i32>} : memref<32x1001xf32, #tpu.memory_space<vmem>>, vector<16xf32>,
        %add3A_292 = arith.addf %add3A_276, %get3A_291 : vector<16xf32>
        %get3A_293 = arith.index_cast %add3A_160 : i32 to index
        %get3A_294 = arith.constant 528 : index
        %get3A_295 = tpu.vector_load %arg5[%get3A_293, %get3A_294] {strides = array<i32>} : memref<32x1001xf32, #tpu.memory_space<vmem>>, vector<16xf32>,
        %add3A_296 = arith.addf %add3A_280, %get3A_295 : vector<16xf32>
        %get3A_297 = arith.index_cast %add3A_160 : i32 to index
        %get3A_298 = arith.constant 544 : index
        %get3A_299 = tpu.vector_load %arg5[%get3A_297, %get3A_298] {strides = array<i32>} : memref<32x1001xf32, #tpu.memory_space<vmem>>, vector<16xf32>,
        %add3A_300 = arith.addf %add3A_284, %get3A_299 : vector<16xf32>
        %get3A_301 = arith.index_cast %add3A_160 : i32 to index
        %get3A_302 = arith.constant 560 : index
        %get3A_303 = tpu.vector_load %arg5[%get3A_301, %get3A_302] {strides = array<i32>} : memref<32x1001xf32, #tpu.memory_space<vmem>>, vector<16xf32>,
        %add3A_304 = arith.addf %add3A_288, %get3A_303 : vector<16xf32>
        %get3A_305 = arith.index_cast %add3A_160 : i32 to index
        %get3A_306 = arith.constant 576 : index
        %get3A_307 = tpu.vector_load %arg5[%get3A_305, %get3A_306] {strides = array<i32>} : memref<32x1001xf32, #tpu.memory_space<vmem>>, vector<16xf32>,
        %add3A_308 = arith.addf %add3A_292, %get3A_307 : vector<16xf32>
        %get3A_309 = arith.index_cast %add3A_160 : i32 to index
        %get3A_310 = arith.constant 592 : index
        %get3A_311 = tpu.vector_load %arg5[%get3A_309, %get3A_310] {strides = array<i32>} : memref<32x1001xf32, #tpu.memory_space<vmem>>, vector<16xf32>,
        %add3A_312 = arith.addf %add3A_296, %get3A_311 : vector<16xf32>
        %get3A_313 = arith.index_cast %add3A_160 : i32 to index
        %get3A_314 = arith.constant 608 : index
        %get3A_315 = tpu.vector_load %arg5[%get3A_313, %get3A_314] {strides = array<i32>} : memref<32x1001xf32, #tpu.memory_space<vmem>>, vector<16xf32>,
        %add3A_316 = arith.addf %add3A_300, %get3A_315 : vector<16xf32>
        %get3A_317 = arith.index_cast %add3A_160 : i32 to index
        %get3A_318 = arith.constant 624 : index
        %get3A_319 = tpu.vector_load %arg5[%get3A_317, %get3A_318] {strides = array<i32>} : memref<32x1001xf32, #tpu.memory_space<vmem>>, vector<16xf32>,
        %add3A_320 = arith.addf %add3A_304, %get3A_319 : vector<16xf32>
        %get3A_321 = arith.index_cast %add3A_160 : i32 to index
        %get3A_322 = arith.constant 640 : index
        %get3A_323 = tpu.vector_load %arg5[%get3A_321, %get3A_322] {strides = array<i32>} : memref<32x1001xf32, #tpu.memory_space<vmem>>, vector<16xf32>,
        %add3A_324 = arith.addf %add3A_308, %get3A_323 : vector<16xf32>
        %get3A_325 = arith.index_cast %add3A_160 : i32 to index
        %get3A_326 = arith.constant 656 : index
        %get3A_327 = tpu.vector_load %arg5[%get3A_325, %get3A_326] {strides = array<i32>} : memref<32x1001xf32, #tpu.memory_space<vmem>>, vector<16xf32>,
        %add3A_328 = arith.addf %add3A_312, %get3A_327 : vector<16xf32>
        %get3A_329 = arith.index_cast %add3A_160 : i32 to index
        %get3A_330 = arith.constant 672 : index
        %get3A_331 = tpu.vector_load %arg5[%get3A_329, %get3A_330] {strides = array<i32>} : memref<32x1001xf32, #tpu.memory_space<vmem>>, vector<16xf32>,
        %add3A_332 = arith.addf %add3A_316, %get3A_331 : vector<16xf32>
        %get3A_333 = arith.index_cast %add3A_160 : i32 to index
        %get3A_334 = arith.constant 688 : index
        %get3A_335 = tpu.vector_load %arg5[%get3A_333, %get3A_334] {strides = array<i32>} : memref<32x1001xf32, #tpu.memory_space<vmem>>, vector<16xf32>,
        %add3A_336 = arith.addf %add3A_320, %get3A_335 : vector<16xf32>
        %get3A_337 = arith.index_cast %add3A_160 : i32 to index
        %get3A_338 = arith.constant 704 : index
        %get3A_339 = tpu.vector_load %arg5[%get3A_337, %get3A_338] {strides = array<i32>} : memref<32x1001xf32, #tpu.memory_space<vmem>>, vector<16xf32>,
        %add3A_340 = arith.addf %add3A_324, %get3A_339 : vector<16xf32>
        %get3A_341 = arith.index_cast %add3A_160 : i32 to index
        %get3A_342 = arith.constant 720 : index
        %get3A_343 = tpu.vector_load %arg5[%get3A_341, %get3A_342] {strides = array<i32>} : memref<32x1001xf32, #tpu.memory_space<vmem>>, vector<16xf32>,
        %add3A_344 = arith.addf %add3A_328, %get3A_343 : vector<16xf32>
        %get3A_345 = arith.index_cast %add3A_160 : i32 to index
        %get3A_346 = arith.constant 736 : index
        %get3A_347 = tpu.vector_load %arg5[%get3A_345, %get3A_346] {strides = array<i32>} : memref<32x1001xf32, #tpu.memory_space<vmem>>, vector<16xf32>,
        %add3A_348 = arith.addf %add3A_332, %get3A_347 : vector<16xf32>
        %get3A_349 = arith.index_cast %add3A_160 : i32 to index
        %get3A_350 = arith.constant 752 : index
        %get3A_351 = tpu.vector_load %arg5[%get3A_349, %get3A_350] {strides = array<i32>} : memref<32x1001xf32, #tpu.memory_space<vmem>>, vector<16xf32>,
        %add3A_352 = arith.addf %add3A_336, %get3A_351 : vector<16xf32>
        %get3A_353 = arith.index_cast %add3A_160 : i32 to index
        %get3A_354 = arith.constant 768 : index
        %get3A_355 = tpu.vector_load %arg5[%get3A_353, %get3A_354] {strides = array<i32>} : memref<32x1001xf32, #tpu.memory_space<vmem>>, vector<16xf32>,
        %add3A_356 = arith.addf %add3A_340, %get3A_355 : vector<16xf32>
        %get3A_357 = arith.index_cast %add3A_160 : i32 to index
        %get3A_358 = arith.constant 784 : index
        %get3A_359 = tpu.vector_load %arg5[%get3A_357, %get3A_358] {strides = array<i32>} : memref<32x1001xf32, #tpu.memory_space<vmem>>, vector<16xf32>,
        %add3A_360 = arith.addf %add3A_344, %get3A_359 : vector<16xf32>
        %get3A_361 = arith.index_cast %add3A_160 : i32 to index
        %get3A_362 = arith.constant 800 : index
        %get3A_363 = tpu.vector_load %arg5[%get3A_361, %get3A_362] {strides = array<i32>} : memref<32x1001xf32, #tpu.memory_space<vmem>>, vector<16xf32>,
        %add3A_364 = arith.addf %add3A_348, %get3A_363 : vector<16xf32>
        %get3A_365 = arith.index_cast %add3A_160 : i32 to index
        %get3A_366 = arith.constant 816 : index
        %get3A_367 = tpu.vector_load %arg5[%get3A_365, %get3A_366] {strides = array<i32>} : memref<32x1001xf32, #tpu.memory_space<vmem>>, vector<16xf32>,
        %add3A_368 = arith.addf %add3A_352, %get3A_367 : vector<16xf32>
        %get3A_369 = arith.index_cast %add3A_160 : i32 to index
        %get3A_370 = arith.constant 832 : index
        %get3A_371 = tpu.vector_load %arg5[%get3A_369, %get3A_370] {strides = array<i32>} : memref<32x1001xf32, #tpu.memory_space<vmem>>, vector<16xf32>,
        %add3A_372 = arith.addf %add3A_356, %get3A_371 : vector<16xf32>
        %get3A_373 = arith.index_cast %add3A_160 : i32 to index
        %get3A_374 = arith.constant 848 : index
        %get3A_375 = tpu.vector_load %arg5[%get3A_373, %get3A_374] {strides = array<i32>} : memref<32x1001xf32, #tpu.memory_space<vmem>>, vector<16xf32>,
        %add3A_376 = arith.addf %add3A_360, %get3A_375 : vector<16xf32>
        %get3A_377 = arith.index_cast %add3A_160 : i32 to index
        %get3A_378 = arith.constant 864 : index
        %get3A_379 = tpu.vector_load %arg5[%get3A_377, %get3A_378] {strides = array<i32>} : memref<32x1001xf32, #tpu.memory_space<vmem>>, vector<16xf32>,
        %add3A_380 = arith.addf %add3A_364, %get3A_379 : vector<16xf32>
        %get3A_381 = arith.index_cast %add3A_160 : i32 to index
        %get3A_382 = arith.constant 880 : index
        %get3A_383 = tpu.vector_load %arg5[%get3A_381, %get3A_382] {strides = array<i32>} : memref<32x1001xf32, #tpu.memory_space<vmem>>, vector<16xf32>,
        %add3A_384 = arith.addf %add3A_368, %get3A_383 : vector<16xf32>
        %get3A_385 = arith.index_cast %add3A_160 : i32 to index
        %get3A_386 = arith.constant 896 : index
        %get3A_387 = tpu.vector_load %arg5[%get3A_385, %get3A_386] {strides = array<i32>} : memref<32x1001xf32, #tpu.memory_space<vmem>>, vector<16xf32>,
        %add3A_388 = arith.addf %add3A_372, %get3A_387 : vector<16xf32>
        %get3A_389 = arith.index_cast %add3A_160 : i32 to index
        %get3A_390 = arith.constant 912 : index
        %get3A_391 = tpu.vector_load %arg5[%get3A_389, %get3A_390] {strides = array<i32>} : memref<32x1001xf32, #tpu.memory_space<vmem>>, vector<16xf32>,
        %add3A_392 = arith.addf %add3A_376, %get3A_391 : vector<16xf32>
        %get3A_393 = arith.index_cast %add3A_160 : i32 to index
        %get3A_394 = arith.constant 928 : index
        %get3A_395 = tpu.vector_load %arg5[%get3A_393, %get3A_394] {strides = array<i32>} : memref<32x1001xf32, #tpu.memory_space<vmem>>, vector<16xf32>,
        %add3A_396 = arith.addf %add3A_380, %get3A_395 : vector<16xf32>
        %get3A_397 = arith.index_cast %add3A_160 : i32 to index
        %get3A_398 = arith.constant 944 : index
        %get3A_399 = tpu.vector_load %arg5[%get3A_397, %get3A_398] {strides = array<i32>} : memref<32x1001xf32, #tpu.memory_space<vmem>>, vector<16xf32>,
        %add3A_400 = arith.addf %add3A_384, %get3A_399 : vector<16xf32>
        %get3A_401 = arith.index_cast %add3A_160 : i32 to index
        %get3A_402 = arith.constant 960 : index
        %get3A_403 = tpu.vector_load %arg5[%get3A_401, %get3A_402] {strides = array<i32>} : memref<32x1001xf32, #tpu.memory_space<vmem>>, vector<16xf32>,
        %add3A_404 = arith.addf %add3A_388, %get3A_403 : vector<16xf32>
        %get3A_405 = arith.index_cast %add3A_160 : i32 to index
        %get3A_406 = arith.constant 976 : index
        %get3A_407 = tpu.vector_load %arg5[%get3A_405, %get3A_406] {strides = array<i32>} : memref<32x1001xf32, #tpu.memory_space<vmem>>, vector<16xf32>,
        %add3A_408 = arith.addf %add3A_392, %get3A_407 : vector<16xf32>
        %get3A_409 = arith.index_cast %add3A_160 : i32 to index
        %get3A_410 = arith.constant 984 : index
        %get3A_411 = tpu.vector_load %arg5[%get3A_409, %get3A_410] {strides = array<i32>} : memref<32x1001xf32, #tpu.memory_space<vmem>>, vector<16xf32>,
        %mul3A_412 = arith.mulf %get3A_411, %convert_element_type3A_8 : vector<16xf32>
        %add3A_413 = arith.addf %add3A_404, %add3A_408 : vector<16xf32>
        %add3A_414 = arith.addf %add3A_396, %add3A_400 : vector<16xf32>
        %add3A_415 = arith.addf %add3A_413, %add3A_414 : vector<16xf32>
        %add3A_416 = arith.addf %add3A_415, %mul3A_412 : vector<16xf32>
        %reduce_sum3A = arith.constant true
        %reduce_sum3A_417 = vector.broadcast %reduce_sum3A : i1 to vector<16xi1>
        %reduce_sum3A_418 = tpu.scan <sum>, %add3A_416 masked %reduce_sum3A_417 : vector<16xf32>, vector<16xi1> -> vector<16xf32>
        %reduce_sum3A_419 = vector.extract %reduce_sum3A_418[15] : f32 from vector<16xf32>
        %eq3A = vector.broadcast %scan3A_157 : i32 to vector<16xi32>
        %eq3A_420 = arith.cmpi eq, %iota3A, %eq3A : vector<16xi32>
        %convert_element_type3A_421 = arith.extui %eq3A_420 : vector<16xi1> to vector<16xi32>
        %convert_element_type3A_422 = arith.sitofp %convert_element_type3A_421 : vector<16xi32> to vector<16xf32>
        %mul3A_423 = vector.broadcast %reduce_sum3A_419 : f32 to vector<16xf32>
        %mul3A_424 = arith.mulf %mul3A_423, %convert_element_type3A_422 : vector<16xf32>
        %add3A_425 = arith.addf %scan3A_158, %mul3A_424 : vector<16xf32>
        scf.yield %add3A_425 : vector<16xf32>
      }
      %scan3A_55 = arith.constant 16 : i32
      %mul3A_56 = arith.constant 32 : i32
      %mul3A_57 = arith.muli %add3A_36, %mul3A_56 : i32
      %add3A_58 = arith.constant 0 : i32
      %add3A_59 = arith.addi %mul3A_57, %add3A_58 : i32
      %get3A = arith.index_cast %add3A_59 : i32 to index
      %get3A_60 = tpu.vector_load %arg7[%get3A] {strides = array<i32>} : memref<512xi32, #tpu.memory_space<vmem>>, vector<16xi32>,
      %gather3A = tpu.vector_load_idx %arg5[%add3A_49, %get3A_60] : memref<32x1001xf32, #tpu.memory_space<vmem>>[vector<16xi32>, vector<16xi32>], vector<16xf32>,
      %mul3A_61 = arith.constant 1.000000e-03 : f32
      %mul3A_62 = vector.broadcast %mul3A_61 : f32 to vector<16xf32>
      %mul3A_63 = arith.mulf %scan3A_54, %mul3A_62 : vector<16xf32>
      %sub3A = arith.subf %gather3A, %mul3A_63 : vector<16xf32>
      %swap3A = arith.index_cast %add3A_59 : i32 to index
      %swap3A_64 = tpu.vector_load %arg8[%swap3A] {strides = array<i32>} : memref<512xf32, #tpu.memory_space<vmem>>, vector<16xf32>,
      tpu.vector_store %arg8[%swap3A], %sub3A {strides = array<i32>} : memref<512xf32, #tpu.memory_space<vmem>>, vector<16xf32>,
      %add3A_65 = arith.constant 16 : i32
      %add3A_66 = vector.broadcast %add3A_65 : i32 to vector<16xi32>
      %add3A_67 = arith.addi %add3A_66, %iota3A : vector<16xi32>
      %scan3A_68 = arith.constant 0 : i32
      %scan3A_69 = arith.constant 16 : i32
      %scan3A_70 = arith.addi %scan3A_68, %scan3A_69 : i32
      %scan3A_71 = arith.constant 1 : i32
      %scan3A_72 = scf.for %scan3A_157 = %scan3A_68 to %scan3A_70 step %scan3A_71 iter_args(%scan3A_158 = %broadcast_in_dim3A_5) -> (vector<16xf32>)  : i32 {
        %add3A_159 = arith.constant 16 : i32
        %add3A_160 = arith.addi %add3A_159, %scan3A_157 : i32
        %get3A_161 = arith.index_cast %add3A_160 : i32 to index
        %get3A_162 = arith.constant 0 : index
        %get3A_163 = tpu.vector_load %arg5[%get3A_161, %get3A_162] {strides = array<i32>} : memref<32x1001xf32, #tpu.memory_space<vmem>>, vector<16xf32>,
        %add3A_164 = arith.addf %broadcast_in_dim3A_5, %get3A_163 : vector<16xf32>
        %get3A_165 = arith.index_cast %add3A_160 : i32 to index
        %get3A_166 = arith.constant 16 : index
        %get3A_167 = tpu.vector_load %arg5[%get3A_165, %get3A_166] {strides = array<i32>} : memref<32x1001xf32, #tpu.memory_space<vmem>>, vector<16xf32>,
        %add3A_168 = arith.addf %broadcast_in_dim3A_5, %get3A_167 : vector<16xf32>
        %get3A_169 = arith.index_cast %add3A_160 : i32 to index
        %get3A_170 = arith.constant 32 : index
        %get3A_171 = tpu.vector_load %arg5[%get3A_169, %get3A_170] {strides = array<i32>} : memref<32x1001xf32, #tpu.memory_space<vmem>>, vector<16xf32>,
        %add3A_172 = arith.addf %broadcast_in_dim3A_5, %get3A_171 : vector<16xf32>
        %get3A_173 = arith.index_cast %add3A_160 : i32 to index
        %get3A_174 = arith.constant 48 : index
        %get3A_175 = tpu.vector_load %arg5[%get3A_173, %get3A_174] {strides = array<i32>} : memref<32x1001xf32, #tpu.memory_space<vmem>>, vector<16xf32>,
        %add3A_176 = arith.addf %broadcast_in_dim3A_5, %get3A_175 : vector<16xf32>
        %get3A_177 = arith.index_cast %add3A_160 : i32 to index
        %get3A_178 = arith.constant 64 : index
        %get3A_179 = tpu.vector_load %arg5[%get3A_177, %get3A_178] {strides = array<i32>} : memref<32x1001xf32, #tpu.memory_space<vmem>>, vector<16xf32>,
        %add3A_180 = arith.addf %add3A_164, %get3A_179 : vector<16xf32>
        %get3A_181 = arith.index_cast %add3A_160 : i32 to index
        %get3A_182 = arith.constant 80 : index
        %get3A_183 = tpu.vector_load %arg5[%get3A_181, %get3A_182] {strides = array<i32>} : memref<32x1001xf32, #tpu.memory_space<vmem>>, vector<16xf32>,
        %add3A_184 = arith.addf %add3A_168, %get3A_183 : vector<16xf32>
        %get3A_185 = arith.index_cast %add3A_160 : i32 to index
        %get3A_186 = arith.constant 96 : index
        %get3A_187 = tpu.vector_load %arg5[%get3A_185, %get3A_186] {strides = array<i32>} : memref<32x1001xf32, #tpu.memory_space<vmem>>, vector<16xf32>,
        %add3A_188 = arith.addf %add3A_172, %get3A_187 : vector<16xf32>
        %get3A_189 = arith.index_cast %add3A_160 : i32 to index
        %get3A_190 = arith.constant 112 : index
        %get3A_191 = tpu.vector_load %arg5[%get3A_189, %get3A_190] {strides = array<i32>} : memref<32x1001xf32, #tpu.memory_space<vmem>>, vector<16xf32>,
        %add3A_192 = arith.addf %add3A_176, %get3A_191 : vector<16xf32>
        %get3A_193 = arith.index_cast %add3A_160 : i32 to index
        %get3A_194 = arith.constant 128 : index
        %get3A_195 = tpu.vector_load %arg5[%get3A_193, %get3A_194] {strides = array<i32>} : memref<32x1001xf32, #tpu.memory_space<vmem>>, vector<16xf32>,
        %add3A_196 = arith.addf %add3A_180, %get3A_195 : vector<16xf32>
        %get3A_197 = arith.index_cast %add3A_160 : i32 to index
        %get3A_198 = arith.constant 144 : index
        %get3A_199 = tpu.vector_load %arg5[%get3A_197, %get3A_198] {strides = array<i32>} : memref<32x1001xf32, #tpu.memory_space<vmem>>, vector<16xf32>,
        %add3A_200 = arith.addf %add3A_184, %get3A_199 : vector<16xf32>
        %get3A_201 = arith.index_cast %add3A_160 : i32 to index
        %get3A_202 = arith.constant 160 : index
        %get3A_203 = tpu.vector_load %arg5[%get3A_201, %get3A_202] {strides = array<i32>} : memref<32x1001xf32, #tpu.memory_space<vmem>>, vector<16xf32>,
        %add3A_204 = arith.addf %add3A_188, %get3A_203 : vector<16xf32>
        %get3A_205 = arith.index_cast %add3A_160 : i32 to index
        %get3A_206 = arith.constant 176 : index
        %get3A_207 = tpu.vector_load %arg5[%get3A_205, %get3A_206] {strides = array<i32>} : memref<32x1001xf32, #tpu.memory_space<vmem>>, vector<16xf32>,
        %add3A_208 = arith.addf %add3A_192, %get3A_207 : vector<16xf32>
        %get3A_209 = arith.index_cast %add3A_160 : i32 to index
        %get3A_210 = arith.constant 192 : index
        %get3A_211 = tpu.vector_load %arg5[%get3A_209, %get3A_210] {strides = array<i32>} : memref<32x1001xf32, #tpu.memory_space<vmem>>, vector<16xf32>,
        %add3A_212 = arith.addf %add3A_196, %get3A_211 : vector<16xf32>
        %get3A_213 = arith.index_cast %add3A_160 : i32 to index
        %get3A_214 = arith.constant 208 : index
        %get3A_215 = tpu.vector_load %arg5[%get3A_213, %get3A_214] {strides = array<i32>} : memref<32x1001xf32, #tpu.memory_space<vmem>>, vector<16xf32>,
        %add3A_216 = arith.addf %add3A_200, %get3A_215 : vector<16xf32>
        %get3A_217 = arith.index_cast %add3A_160 : i32 to index
        %get3A_218 = arith.constant 224 : index
        %get3A_219 = tpu.vector_load %arg5[%get3A_217, %get3A_218] {strides = array<i32>} : memref<32x1001xf32, #tpu.memory_space<vmem>>, vector<16xf32>,
        %add3A_220 = arith.addf %add3A_204, %get3A_219 : vector<16xf32>
        %get3A_221 = arith.index_cast %add3A_160 : i32 to index
        %get3A_222 = arith.constant 240 : index
        %get3A_223 = tpu.vector_load %arg5[%get3A_221, %get3A_222] {strides = array<i32>} : memref<32x1001xf32, #tpu.memory_space<vmem>>, vector<16xf32>,
        %add3A_224 = arith.addf %add3A_208, %get3A_223 : vector<16xf32>
        %get3A_225 = arith.index_cast %add3A_160 : i32 to index
        %get3A_226 = arith.constant 256 : index
        %get3A_227 = tpu.vector_load %arg5[%get3A_225, %get3A_226] {strides = array<i32>} : memref<32x1001xf32, #tpu.memory_space<vmem>>, vector<16xf32>,
        %add3A_228 = arith.addf %add3A_212, %get3A_227 : vector<16xf32>
        %get3A_229 = arith.index_cast %add3A_160 : i32 to index
        %get3A_230 = arith.constant 272 : index
        %get3A_231 = tpu.vector_load %arg5[%get3A_229, %get3A_230] {strides = array<i32>} : memref<32x1001xf32, #tpu.memory_space<vmem>>, vector<16xf32>,
        %add3A_232 = arith.addf %add3A_216, %get3A_231 : vector<16xf32>
        %get3A_233 = arith.index_cast %add3A_160 : i32 to index
        %get3A_234 = arith.constant 288 : index
        %get3A_235 = tpu.vector_load %arg5[%get3A_233, %get3A_234] {strides = array<i32>} : memref<32x1001xf32, #tpu.memory_space<vmem>>, vector<16xf32>,
        %add3A_236 = arith.addf %add3A_220, %get3A_235 : vector<16xf32>
        %get3A_237 = arith.index_cast %add3A_160 : i32 to index
        %get3A_238 = arith.constant 304 : index
        %get3A_239 = tpu.vector_load %arg5[%get3A_237, %get3A_238] {strides = array<i32>} : memref<32x1001xf32, #tpu.memory_space<vmem>>, vector<16xf32>,
        %add3A_240 = arith.addf %add3A_224, %get3A_239 : vector<16xf32>
        %get3A_241 = arith.index_cast %add3A_160 : i32 to index
        %get3A_242 = arith.constant 320 : index
        %get3A_243 = tpu.vector_load %arg5[%get3A_241, %get3A_242] {strides = array<i32>} : memref<32x1001xf32, #tpu.memory_space<vmem>>, vector<16xf32>,
        %add3A_244 = arith.addf %add3A_228, %get3A_243 : vector<16xf32>
        %get3A_245 = arith.index_cast %add3A_160 : i32 to index
        %get3A_246 = arith.constant 336 : index
        %get3A_247 = tpu.vector_load %arg5[%get3A_245, %get3A_246] {strides = array<i32>} : memref<32x1001xf32, #tpu.memory_space<vmem>>, vector<16xf32>,
        %add3A_248 = arith.addf %add3A_232, %get3A_247 : vector<16xf32>
        %get3A_249 = arith.index_cast %add3A_160 : i32 to index
        %get3A_250 = arith.constant 352 : index
        %get3A_251 = tpu.vector_load %arg5[%get3A_249, %get3A_250] {strides = array<i32>} : memref<32x1001xf32, #tpu.memory_space<vmem>>, vector<16xf32>,
        %add3A_252 = arith.addf %add3A_236, %get3A_251 : vector<16xf32>
        %get3A_253 = arith.index_cast %add3A_160 : i32 to index
        %get3A_254 = arith.constant 368 : index
        %get3A_255 = tpu.vector_load %arg5[%get3A_253, %get3A_254] {strides = array<i32>} : memref<32x1001xf32, #tpu.memory_space<vmem>>, vector<16xf32>,
        %add3A_256 = arith.addf %add3A_240, %get3A_255 : vector<16xf32>
        %get3A_257 = arith.index_cast %add3A_160 : i32 to index
        %get3A_258 = arith.constant 384 : index
        %get3A_259 = tpu.vector_load %arg5[%get3A_257, %get3A_258] {strides = array<i32>} : memref<32x1001xf32, #tpu.memory_space<vmem>>, vector<16xf32>,
        %add3A_260 = arith.addf %add3A_244, %get3A_259 : vector<16xf32>
        %get3A_261 = arith.index_cast %add3A_160 : i32 to index
        %get3A_262 = arith.constant 400 : index
        %get3A_263 = tpu.vector_load %arg5[%get3A_261, %get3A_262] {strides = array<i32>} : memref<32x1001xf32, #tpu.memory_space<vmem>>, vector<16xf32>,
        %add3A_264 = arith.addf %add3A_248, %get3A_263 : vector<16xf32>
        %get3A_265 = arith.index_cast %add3A_160 : i32 to index
        %get3A_266 = arith.constant 416 : index
        %get3A_267 = tpu.vector_load %arg5[%get3A_265, %get3A_266] {strides = array<i32>} : memref<32x1001xf32, #tpu.memory_space<vmem>>, vector<16xf32>,
        %add3A_268 = arith.addf %add3A_252, %get3A_267 : vector<16xf32>
        %get3A_269 = arith.index_cast %add3A_160 : i32 to index
        %get3A_270 = arith.constant 432 : index
        %get3A_271 = tpu.vector_load %arg5[%get3A_269, %get3A_270] {strides = array<i32>} : memref<32x1001xf32, #tpu.memory_space<vmem>>, vector<16xf32>,
        %add3A_272 = arith.addf %add3A_256, %get3A_271 : vector<16xf32>
        %get3A_273 = arith.index_cast %add3A_160 : i32 to index
        %get3A_274 = arith.constant 448 : index
        %get3A_275 = tpu.vector_load %arg5[%get3A_273, %get3A_274] {strides = array<i32>} : memref<32x1001xf32, #tpu.memory_space<vmem>>, vector<16xf32>,
        %add3A_276 = arith.addf %add3A_260, %get3A_275 : vector<16xf32>
        %get3A_277 = arith.index_cast %add3A_160 : i32 to index
        %get3A_278 = arith.constant 464 : index
        %get3A_279 = tpu.vector_load %arg5[%get3A_277, %get3A_278] {strides = array<i32>} : memref<32x1001xf32, #tpu.memory_space<vmem>>, vector<16xf32>,
        %add3A_280 = arith.addf %add3A_264, %get3A_279 : vector<16xf32>
        %get3A_281 = arith.index_cast %add3A_160 : i32 to index
        %get3A_282 = arith.constant 480 : index
        %get3A_283 = tpu.vector_load %arg5[%get3A_281, %get3A_282] {strides = array<i32>} : memref<32x1001xf32, #tpu.memory_space<vmem>>, vector<16xf32>,
        %add3A_284 = arith.addf %add3A_268, %get3A_283 : vector<16xf32>
        %get3A_285 = arith.index_cast %add3A_160 : i32 to index
        %get3A_286 = arith.constant 496 : index
        %get3A_287 = tpu.vector_load %arg5[%get3A_285, %get3A_286] {strides = array<i32>} : memref<32x1001xf32, #tpu.memory_space<vmem>>, vector<16xf32>,
        %add3A_288 = arith.addf %add3A_272, %get3A_287 : vector<16xf32>
        %get3A_289 = arith.index_cast %add3A_160 : i32 to index
        %get3A_290 = arith.constant 512 : index
        %get3A_291 = tpu.vector_load %arg5[%get3A_289, %get3A_290] {strides = array<i32>} : memref<32x1001xf32, #tpu.memory_space<vmem>>, vector<16xf32>,
        %add3A_292 = arith.addf %add3A_276, %get3A_291 : vector<16xf32>
        %get3A_293 = arith.index_cast %add3A_160 : i32 to index
        %get3A_294 = arith.constant 528 : index
        %get3A_295 = tpu.vector_load %arg5[%get3A_293, %get3A_294] {strides = array<i32>} : memref<32x1001xf32, #tpu.memory_space<vmem>>, vector<16xf32>,
        %add3A_296 = arith.addf %add3A_280, %get3A_295 : vector<16xf32>
        %get3A_297 = arith.index_cast %add3A_160 : i32 to index
        %get3A_298 = arith.constant 544 : index
        %get3A_299 = tpu.vector_load %arg5[%get3A_297, %get3A_298] {strides = array<i32>} : memref<32x1001xf32, #tpu.memory_space<vmem>>, vector<16xf32>,
        %add3A_300 = arith.addf %add3A_284, %get3A_299 : vector<16xf32>
        %get3A_301 = arith.index_cast %add3A_160 : i32 to index
        %get3A_302 = arith.constant 560 : index
        %get3A_303 = tpu.vector_load %arg5[%get3A_301, %get3A_302] {strides = array<i32>} : memref<32x1001xf32, #tpu.memory_space<vmem>>, vector<16xf32>,
        %add3A_304 = arith.addf %add3A_288, %get3A_303 : vector<16xf32>
        %get3A_305 = arith.index_cast %add3A_160 : i32 to index
        %get3A_306 = arith.constant 576 : index
        %get3A_307 = tpu.vector_load %arg5[%get3A_305, %get3A_306] {strides = array<i32>} : memref<32x1001xf32, #tpu.memory_space<vmem>>, vector<16xf32>,
        %add3A_308 = arith.addf %add3A_292, %get3A_307 : vector<16xf32>
        %get3A_309 = arith.index_cast %add3A_160 : i32 to index
        %get3A_310 = arith.constant 592 : index
        %get3A_311 = tpu.vector_load %arg5[%get3A_309, %get3A_310] {strides = array<i32>} : memref<32x1001xf32, #tpu.memory_space<vmem>>, vector<16xf32>,
        %add3A_312 = arith.addf %add3A_296, %get3A_311 : vector<16xf32>
        %get3A_313 = arith.index_cast %add3A_160 : i32 to index
        %get3A_314 = arith.constant 608 : index
        %get3A_315 = tpu.vector_load %arg5[%get3A_313, %get3A_314] {strides = array<i32>} : memref<32x1001xf32, #tpu.memory_space<vmem>>, vector<16xf32>,
        %add3A_316 = arith.addf %add3A_300, %get3A_315 : vector<16xf32>
        %get3A_317 = arith.index_cast %add3A_160 : i32 to index
        %get3A_318 = arith.constant 624 : index
        %get3A_319 = tpu.vector_load %arg5[%get3A_317, %get3A_318] {strides = array<i32>} : memref<32x1001xf32, #tpu.memory_space<vmem>>, vector<16xf32>,
        %add3A_320 = arith.addf %add3A_304, %get3A_319 : vector<16xf32>
        %get3A_321 = arith.index_cast %add3A_160 : i32 to index
        %get3A_322 = arith.constant 640 : index
        %get3A_323 = tpu.vector_load %arg5[%get3A_321, %get3A_322] {strides = array<i32>} : memref<32x1001xf32, #tpu.memory_space<vmem>>, vector<16xf32>,
        %add3A_324 = arith.addf %add3A_308, %get3A_323 : vector<16xf32>
        %get3A_325 = arith.index_cast %add3A_160 : i32 to index
        %get3A_326 = arith.constant 656 : index
        %get3A_327 = tpu.vector_load %arg5[%get3A_325, %get3A_326] {strides = array<i32>} : memref<32x1001xf32, #tpu.memory_space<vmem>>, vector<16xf32>,
        %add3A_328 = arith.addf %add3A_312, %get3A_327 : vector<16xf32>
        %get3A_329 = arith.index_cast %add3A_160 : i32 to index
        %get3A_330 = arith.constant 672 : index
        %get3A_331 = tpu.vector_load %arg5[%get3A_329, %get3A_330] {strides = array<i32>} : memref<32x1001xf32, #tpu.memory_space<vmem>>, vector<16xf32>,
        %add3A_332 = arith.addf %add3A_316, %get3A_331 : vector<16xf32>
        %get3A_333 = arith.index_cast %add3A_160 : i32 to index
        %get3A_334 = arith.constant 688 : index
        %get3A_335 = tpu.vector_load %arg5[%get3A_333, %get3A_334] {strides = array<i32>} : memref<32x1001xf32, #tpu.memory_space<vmem>>, vector<16xf32>,
        %add3A_336 = arith.addf %add3A_320, %get3A_335 : vector<16xf32>
        %get3A_337 = arith.index_cast %add3A_160 : i32 to index
        %get3A_338 = arith.constant 704 : index
        %get3A_339 = tpu.vector_load %arg5[%get3A_337, %get3A_338] {strides = array<i32>} : memref<32x1001xf32, #tpu.memory_space<vmem>>, vector<16xf32>,
        %add3A_340 = arith.addf %add3A_324, %get3A_339 : vector<16xf32>
        %get3A_341 = arith.index_cast %add3A_160 : i32 to index
        %get3A_342 = arith.constant 720 : index
        %get3A_343 = tpu.vector_load %arg5[%get3A_341, %get3A_342] {strides = array<i32>} : memref<32x1001xf32, #tpu.memory_space<vmem>>, vector<16xf32>,
        %add3A_344 = arith.addf %add3A_328, %get3A_343 : vector<16xf32>
        %get3A_345 = arith.index_cast %add3A_160 : i32 to index
        %get3A_346 = arith.constant 736 : index
        %get3A_347 = tpu.vector_load %arg5[%get3A_345, %get3A_346] {strides = array<i32>} : memref<32x1001xf32, #tpu.memory_space<vmem>>, vector<16xf32>,
        %add3A_348 = arith.addf %add3A_332, %get3A_347 : vector<16xf32>
        %get3A_349 = arith.index_cast %add3A_160 : i32 to index
        %get3A_350 = arith.constant 752 : index
        %get3A_351 = tpu.vector_load %arg5[%get3A_349, %get3A_350] {strides = array<i32>} : memref<32x1001xf32, #tpu.memory_space<vmem>>, vector<16xf32>,
        %add3A_352 = arith.addf %add3A_336, %get3A_351 : vector<16xf32>
        %get3A_353 = arith.index_cast %add3A_160 : i32 to index
        %get3A_354 = arith.constant 768 : index
        %get3A_355 = tpu.vector_load %arg5[%get3A_353, %get3A_354] {strides = array<i32>} : memref<32x1001xf32, #tpu.memory_space<vmem>>, vector<16xf32>,
        %add3A_356 = arith.addf %add3A_340, %get3A_355 : vector<16xf32>
        %get3A_357 = arith.index_cast %add3A_160 : i32 to index
        %get3A_358 = arith.constant 784 : index
        %get3A_359 = tpu.vector_load %arg5[%get3A_357, %get3A_358] {strides = array<i32>} : memref<32x1001xf32, #tpu.memory_space<vmem>>, vector<16xf32>,
        %add3A_360 = arith.addf %add3A_344, %get3A_359 : vector<16xf32>
        %get3A_361 = arith.index_cast %add3A_160 : i32 to index
        %get3A_362 = arith.constant 800 : index
        %get3A_363 = tpu.vector_load %arg5[%get3A_361, %get3A_362] {strides = array<i32>} : memref<32x1001xf32, #tpu.memory_space<vmem>>, vector<16xf32>,
        %add3A_364 = arith.addf %add3A_348, %get3A_363 : vector<16xf32>
        %get3A_365 = arith.index_cast %add3A_160 : i32 to index
        %get3A_366 = arith.constant 816 : index
        %get3A_367 = tpu.vector_load %arg5[%get3A_365, %get3A_366] {strides = array<i32>} : memref<32x1001xf32, #tpu.memory_space<vmem>>, vector<16xf32>,
        %add3A_368 = arith.addf %add3A_352, %get3A_367 : vector<16xf32>
        %get3A_369 = arith.index_cast %add3A_160 : i32 to index
        %get3A_370 = arith.constant 832 : index
        %get3A_371 = tpu.vector_load %arg5[%get3A_369, %get3A_370] {strides = array<i32>} : memref<32x1001xf32, #tpu.memory_space<vmem>>, vector<16xf32>,
        %add3A_372 = arith.addf %add3A_356, %get3A_371 : vector<16xf32>
        %get3A_373 = arith.index_cast %add3A_160 : i32 to index
        %get3A_374 = arith.constant 848 : index
        %get3A_375 = tpu.vector_load %arg5[%get3A_373, %get3A_374] {strides = array<i32>} : memref<32x1001xf32, #tpu.memory_space<vmem>>, vector<16xf32>,
        %add3A_376 = arith.addf %add3A_360, %get3A_375 : vector<16xf32>
        %get3A_377 = arith.index_cast %add3A_160 : i32 to index
        %get3A_378 = arith.constant 864 : index
        %get3A_379 = tpu.vector_load %arg5[%get3A_377, %get3A_378] {strides = array<i32>} : memref<32x1001xf32, #tpu.memory_space<vmem>>, vector<16xf32>,
        %add3A_380 = arith.addf %add3A_364, %get3A_379 : vector<16xf32>
        %get3A_381 = arith.index_cast %add3A_160 : i32 to index
        %get3A_382 = arith.constant 880 : index
        %get3A_383 = tpu.vector_load %arg5[%get3A_381, %get3A_382] {strides = array<i32>} : memref<32x1001xf32, #tpu.memory_space<vmem>>, vector<16xf32>,
        %add3A_384 = arith.addf %add3A_368, %get3A_383 : vector<16xf32>
        %get3A_385 = arith.index_cast %add3A_160 : i32 to index
        %get3A_386 = arith.constant 896 : index
        %get3A_387 = tpu.vector_load %arg5[%get3A_385, %get3A_386] {strides = array<i32>} : memref<32x1001xf32, #tpu.memory_space<vmem>>, vector<16xf32>,
        %add3A_388 = arith.addf %add3A_372, %get3A_387 : vector<16xf32>
        %get3A_389 = arith.index_cast %add3A_160 : i32 to index
        %get3A_390 = arith.constant 912 : index
        %get3A_391 = tpu.vector_load %arg5[%get3A_389, %get3A_390] {strides = array<i32>} : memref<32x1001xf32, #tpu.memory_space<vmem>>, vector<16xf32>,
        %add3A_392 = arith.addf %add3A_376, %get3A_391 : vector<16xf32>
        %get3A_393 = arith.index_cast %add3A_160 : i32 to index
        %get3A_394 = arith.constant 928 : index
        %get3A_395 = tpu.vector_load %arg5[%get3A_393, %get3A_394] {strides = array<i32>} : memref<32x1001xf32, #tpu.memory_space<vmem>>, vector<16xf32>,
        %add3A_396 = arith.addf %add3A_380, %get3A_395 : vector<16xf32>
        %get3A_397 = arith.index_cast %add3A_160 : i32 to index
        %get3A_398 = arith.constant 944 : index
        %get3A_399 = tpu.vector_load %arg5[%get3A_397, %get3A_398] {strides = array<i32>} : memref<32x1001xf32, #tpu.memory_space<vmem>>, vector<16xf32>,
        %add3A_400 = arith.addf %add3A_384, %get3A_399 : vector<16xf32>
        %get3A_401 = arith.index_cast %add3A_160 : i32 to index
        %get3A_402 = arith.constant 960 : index
        %get3A_403 = tpu.vector_load %arg5[%get3A_401, %get3A_402] {strides = array<i32>} : memref<32x1001xf32, #tpu.memory_space<vmem>>, vector<16xf32>,
        %add3A_404 = arith.addf %add3A_388, %get3A_403 : vector<16xf32>
        %get3A_405 = arith.index_cast %add3A_160 : i32 to index
        %get3A_406 = arith.constant 976 : index
        %get3A_407 = tpu.vector_load %arg5[%get3A_405, %get3A_406] {strides = array<i32>} : memref<32x1001xf32, #tpu.memory_space<vmem>>, vector<16xf32>,
        %add3A_408 = arith.addf %add3A_392, %get3A_407 : vector<16xf32>
        %get3A_409 = arith.index_cast %add3A_160 : i32 to index
        %get3A_410 = arith.constant 984 : index
        %get3A_411 = tpu.vector_load %arg5[%get3A_409, %get3A_410] {strides = array<i32>} : memref<32x1001xf32, #tpu.memory_space<vmem>>, vector<16xf32>,
        %mul3A_412 = arith.mulf %get3A_411, %convert_element_type3A_8 : vector<16xf32>
        %add3A_413 = arith.addf %add3A_404, %add3A_408 : vector<16xf32>
        %add3A_414 = arith.addf %add3A_396, %add3A_400 : vector<16xf32>
        %add3A_415 = arith.addf %add3A_413, %add3A_414 : vector<16xf32>
        %add3A_416 = arith.addf %add3A_415, %mul3A_412 : vector<16xf32>
        %reduce_sum3A = arith.constant true
        %reduce_sum3A_417 = vector.broadcast %reduce_sum3A : i1 to vector<16xi1>
        %reduce_sum3A_418 = tpu.scan <sum>, %add3A_416 masked %reduce_sum3A_417 : vector<16xf32>, vector<16xi1> -> vector<16xf32>
        %reduce_sum3A_419 = vector.extract %reduce_sum3A_418[15] : f32 from vector<16xf32>
        %eq3A = vector.broadcast %scan3A_157 : i32 to vector<16xi32>
        %eq3A_420 = arith.cmpi eq, %iota3A, %eq3A : vector<16xi32>
        %convert_element_type3A_421 = arith.extui %eq3A_420 : vector<16xi1> to vector<16xi32>
        %convert_element_type3A_422 = arith.sitofp %convert_element_type3A_421 : vector<16xi32> to vector<16xf32>
        %mul3A_423 = vector.broadcast %reduce_sum3A_419 : f32 to vector<16xf32>
        %mul3A_424 = arith.mulf %mul3A_423, %convert_element_type3A_422 : vector<16xf32>
        %add3A_425 = arith.addf %scan3A_158, %mul3A_424 : vector<16xf32>
        scf.yield %add3A_425 : vector<16xf32>
      }
      %scan3A_73 = arith.constant 16 : i32
      %mul3A_74 = arith.constant 32 : i32
      %mul3A_75 = arith.muli %add3A_36, %mul3A_74 : i32
      %add3A_76 = arith.constant 16 : i32
      %add3A_77 = arith.addi %mul3A_75, %add3A_76 : i32
      %get3A_78 = arith.index_cast %add3A_77 : i32 to index
      %get3A_79 = tpu.vector_load %arg7[%get3A_78] {strides = array<i32>} : memref<512xi32, #tpu.memory_space<vmem>>, vector<16xi32>,
      %gather3A_80 = tpu.vector_load_idx %arg5[%add3A_67, %get3A_79] : memref<32x1001xf32, #tpu.memory_space<vmem>>[vector<16xi32>, vector<16xi32>], vector<16xf32>,
      %mul3A_81 = arith.constant 1.000000e-03 : f32
      %mul3A_82 = vector.broadcast %mul3A_81 : f32 to vector<16xf32>
      %mul3A_83 = arith.mulf %scan3A_72, %mul3A_82 : vector<16xf32>
      %sub3A_84 = arith.subf %gather3A_80, %mul3A_83 : vector<16xf32>
      %swap3A_85 = arith.index_cast %add3A_77 : i32 to index
      %swap3A_86 = tpu.vector_load %arg8[%swap3A_85] {strides = array<i32>} : memref<512xf32, #tpu.memory_space<vmem>>, vector<16xf32>,
      tpu.vector_store %arg8[%swap3A_85], %sub3A_84 {strides = array<i32>} : memref<512xf32, #tpu.memory_space<vmem>>, vector<16xf32>,
      %add3A_87 = arith.constant 2 : i32
      %add3A_88 = arith.addi %add3A_36, %add3A_87 : i32
      %lt3A = arith.constant 16 : i32
      %lt3A_89 = arith.cmpi slt, %add3A_88, %lt3A : i32
      %convert_element_type3A_90 = arith.extui %lt3A_89 : i1 to i32
      %cond3A = arith.constant 0 : i32
      %cond3A_91 = arith.cmpi ne, %convert_element_type3A_90, %cond3A : i32
      scf.if %cond3A_91 {
        %add3A_157 = arith.constant 2 : i32
        %add3A_158 = arith.addi %add3A_36, %add3A_157 : i32
        %mul3A_159 = arith.constant 32 : i32
        %mul3A_160 = arith.muli %add3A_158, %mul3A_159 : i32
        %add3A_161 = arith.addi %mul3A_2, %mul3A_160 : i32
        %dma_start3A_162 = arith.constant 0 : i32
        %dma_start3A_163 = arith.constant 0 : i32
        %dma_start3A_164 = tpu.memref_slice %arg2[%add3A_161, %dma_start3A_163] : memref<16384x1001xf32, #tpu.memory_space<hbm>> -> memref<32x1001xf32, #tpu.memory_space<hbm>>
        %dma_start3A_165 = tpu.memref_slice %arg9[%dma_start3A_162] : memref<2x!tpu.dma_semaphore, #tpu.memory_space<semaphore_mem>> -> memref<1x!tpu.dma_semaphore, #tpu.memory_space<semaphore_mem>>
        %dma_start3A_166 = tpu.memref_squeeze %dma_start3A_165 : memref<1x!tpu.dma_semaphore, #tpu.memory_space<semaphore_mem>> -> memref<!tpu.dma_semaphore, #tpu.memory_space<semaphore_mem>>
        %dma_start3A_167 = arith.constant 0 : i32
        %dma_start3A_168 = tpu.memref_slice %arg2[%add3A_161, %dma_start3A_167] : memref<16384x1001xf32, #tpu.memory_space<hbm>> -> memref<32x1001xf32, #tpu.memory_space<hbm>>
        tpu.enqueue_dma source(%dma_start3A_168 : memref<32x1001xf32, #tpu.memory_space<hbm>>) target(%arg5 : memref<32x1001xf32, #tpu.memory_space<vmem>>) target_semaphore(%dma_start3A_166 : memref<!tpu.dma_semaphore, #tpu.memory_space<semaphore_mem>>)
      } else {
      }
      %mul3A_92 = arith.constant 2 : i32
      %mul3A_93 = arith.muli %scan3A_32, %mul3A_92 : i32
      %add3A_94 = arith.constant 1 : i32
      %add3A_95 = arith.addi %mul3A_93, %add3A_94 : i32
      %mul3A_96 = arith.constant 32 : i32
      %mul3A_97 = arith.muli %add3A_95, %mul3A_96 : i32
      %add3A_98 = arith.addi %mul3A_2, %mul3A_97 : i32
      %dma_wait3A_99 = arith.constant 1 : i32
      %dma_wait3A_100 = arith.constant 0 : i32
      %dma_wait3A_101 = tpu.memref_slice %arg2[%add3A_98, %dma_wait3A_100] : memref<16384x1001xf32, #tpu.memory_space<hbm>> -> memref<32x1001xf32, #tpu.memory_space<hbm>>
      %dma_wait3A_102 = tpu.memref_slice %arg9[%dma_wait3A_99] : memref<2x!tpu.dma_semaphore, #tpu.memory_space<semaphore_mem>> -> memref<1x!tpu.dma_semaphore, #tpu.memory_space<semaphore_mem>>
      %dma_wait3A_103 = tpu.memref_squeeze %dma_wait3A_102 : memref<1x!tpu.dma_semaphore, #tpu.memory_space<semaphore_mem>> -> memref<!tpu.dma_semaphore, #tpu.memory_space<semaphore_mem>>
      %dma_wait3A_104 = arith.constant 0 : i32
      %dma_wait3A_105 = tpu.memref_slice %arg2[%add3A_98, %dma_wait3A_104] : memref<16384x1001xf32, #tpu.memory_space<hbm>> -> memref<32x1001xf32, #tpu.memory_space<hbm>>
      tpu.wait_dma2 semaphore(%dma_wait3A_103 : memref<!tpu.dma_semaphore, #tpu.memory_space<semaphore_mem>>) src(%dma_wait3A_105 : memref<32x1001xf32, #tpu.memory_space<hbm>>) dst(%arg6 : memref<32x1001xf32, #tpu.memory_space<vmem>>)
      %add3A_106 = arith.constant 0 : i32
      %add3A_107 = vector.broadcast %add3A_106 : i32 to vector<16xi32>
      %add3A_108 = arith.addi %add3A_107, %iota3A : vector<16xi32>
      %scan3A_109 = arith.constant 0 : i32
      %scan3A_110 = arith.constant 16 : i32
      %scan3A_111 = arith.addi %scan3A_109, %scan3A_110 : i32
      %scan3A_112 = arith.constant 1 : i32
      %scan3A_113 = scf.for %scan3A_157 = %scan3A_109 to %scan3A_111 step %scan3A_112 iter_args(%scan3A_158 = %broadcast_in_dim3A_5) -> (vector<16xf32>)  : i32 {
        %add3A_159 = arith.constant 0 : i32
        %add3A_160 = arith.addi %add3A_159, %scan3A_157 : i32
        %get3A_161 = arith.index_cast %add3A_160 : i32 to index
        %get3A_162 = arith.constant 0 : index
        %get3A_163 = tpu.vector_load %arg6[%get3A_161, %get3A_162] {strides = array<i32>} : memref<32x1001xf32, #tpu.memory_space<vmem>>, vector<16xf32>,
        %add3A_164 = arith.addf %broadcast_in_dim3A_5, %get3A_163 : vector<16xf32>
        %get3A_165 = arith.index_cast %add3A_160 : i32 to index
        %get3A_166 = arith.constant 16 : index
        %get3A_167 = tpu.vector_load %arg6[%get3A_165, %get3A_166] {strides = array<i32>} : memref<32x1001xf32, #tpu.memory_space<vmem>>, vector<16xf32>,
        %add3A_168 = arith.addf %broadcast_in_dim3A_5, %get3A_167 : vector<16xf32>
        %get3A_169 = arith.index_cast %add3A_160 : i32 to index
        %get3A_170 = arith.constant 32 : index
        %get3A_171 = tpu.vector_load %arg6[%get3A_169, %get3A_170] {strides = array<i32>} : memref<32x1001xf32, #tpu.memory_space<vmem>>, vector<16xf32>,
        %add3A_172 = arith.addf %broadcast_in_dim3A_5, %get3A_171 : vector<16xf32>
        %get3A_173 = arith.index_cast %add3A_160 : i32 to index
        %get3A_174 = arith.constant 48 : index
        %get3A_175 = tpu.vector_load %arg6[%get3A_173, %get3A_174] {strides = array<i32>} : memref<32x1001xf32, #tpu.memory_space<vmem>>, vector<16xf32>,
        %add3A_176 = arith.addf %broadcast_in_dim3A_5, %get3A_175 : vector<16xf32>
        %get3A_177 = arith.index_cast %add3A_160 : i32 to index
        %get3A_178 = arith.constant 64 : index
        %get3A_179 = tpu.vector_load %arg6[%get3A_177, %get3A_178] {strides = array<i32>} : memref<32x1001xf32, #tpu.memory_space<vmem>>, vector<16xf32>,
        %add3A_180 = arith.addf %add3A_164, %get3A_179 : vector<16xf32>
        %get3A_181 = arith.index_cast %add3A_160 : i32 to index
        %get3A_182 = arith.constant 80 : index
        %get3A_183 = tpu.vector_load %arg6[%get3A_181, %get3A_182] {strides = array<i32>} : memref<32x1001xf32, #tpu.memory_space<vmem>>, vector<16xf32>,
        %add3A_184 = arith.addf %add3A_168, %get3A_183 : vector<16xf32>
        %get3A_185 = arith.index_cast %add3A_160 : i32 to index
        %get3A_186 = arith.constant 96 : index
        %get3A_187 = tpu.vector_load %arg6[%get3A_185, %get3A_186] {strides = array<i32>} : memref<32x1001xf32, #tpu.memory_space<vmem>>, vector<16xf32>,
        %add3A_188 = arith.addf %add3A_172, %get3A_187 : vector<16xf32>
        %get3A_189 = arith.index_cast %add3A_160 : i32 to index
        %get3A_190 = arith.constant 112 : index
        %get3A_191 = tpu.vector_load %arg6[%get3A_189, %get3A_190] {strides = array<i32>} : memref<32x1001xf32, #tpu.memory_space<vmem>>, vector<16xf32>,
        %add3A_192 = arith.addf %add3A_176, %get3A_191 : vector<16xf32>
        %get3A_193 = arith.index_cast %add3A_160 : i32 to index
        %get3A_194 = arith.constant 128 : index
        %get3A_195 = tpu.vector_load %arg6[%get3A_193, %get3A_194] {strides = array<i32>} : memref<32x1001xf32, #tpu.memory_space<vmem>>, vector<16xf32>,
        %add3A_196 = arith.addf %add3A_180, %get3A_195 : vector<16xf32>
        %get3A_197 = arith.index_cast %add3A_160 : i32 to index
        %get3A_198 = arith.constant 144 : index
        %get3A_199 = tpu.vector_load %arg6[%get3A_197, %get3A_198] {strides = array<i32>} : memref<32x1001xf32, #tpu.memory_space<vmem>>, vector<16xf32>,
        %add3A_200 = arith.addf %add3A_184, %get3A_199 : vector<16xf32>
        %get3A_201 = arith.index_cast %add3A_160 : i32 to index
        %get3A_202 = arith.constant 160 : index
        %get3A_203 = tpu.vector_load %arg6[%get3A_201, %get3A_202] {strides = array<i32>} : memref<32x1001xf32, #tpu.memory_space<vmem>>, vector<16xf32>,
        %add3A_204 = arith.addf %add3A_188, %get3A_203 : vector<16xf32>
        %get3A_205 = arith.index_cast %add3A_160 : i32 to index
        %get3A_206 = arith.constant 176 : index
        %get3A_207 = tpu.vector_load %arg6[%get3A_205, %get3A_206] {strides = array<i32>} : memref<32x1001xf32, #tpu.memory_space<vmem>>, vector<16xf32>,
        %add3A_208 = arith.addf %add3A_192, %get3A_207 : vector<16xf32>
        %get3A_209 = arith.index_cast %add3A_160 : i32 to index
        %get3A_210 = arith.constant 192 : index
        %get3A_211 = tpu.vector_load %arg6[%get3A_209, %get3A_210] {strides = array<i32>} : memref<32x1001xf32, #tpu.memory_space<vmem>>, vector<16xf32>,
        %add3A_212 = arith.addf %add3A_196, %get3A_211 : vector<16xf32>
        %get3A_213 = arith.index_cast %add3A_160 : i32 to index
        %get3A_214 = arith.constant 208 : index
        %get3A_215 = tpu.vector_load %arg6[%get3A_213, %get3A_214] {strides = array<i32>} : memref<32x1001xf32, #tpu.memory_space<vmem>>, vector<16xf32>,
        %add3A_216 = arith.addf %add3A_200, %get3A_215 : vector<16xf32>
        %get3A_217 = arith.index_cast %add3A_160 : i32 to index
        %get3A_218 = arith.constant 224 : index
        %get3A_219 = tpu.vector_load %arg6[%get3A_217, %get3A_218] {strides = array<i32>} : memref<32x1001xf32, #tpu.memory_space<vmem>>, vector<16xf32>,
        %add3A_220 = arith.addf %add3A_204, %get3A_219 : vector<16xf32>
        %get3A_221 = arith.index_cast %add3A_160 : i32 to index
        %get3A_222 = arith.constant 240 : index
        %get3A_223 = tpu.vector_load %arg6[%get3A_221, %get3A_222] {strides = array<i32>} : memref<32x1001xf32, #tpu.memory_space<vmem>>, vector<16xf32>,
        %add3A_224 = arith.addf %add3A_208, %get3A_223 : vector<16xf32>
        %get3A_225 = arith.index_cast %add3A_160 : i32 to index
        %get3A_226 = arith.constant 256 : index
        %get3A_227 = tpu.vector_load %arg6[%get3A_225, %get3A_226] {strides = array<i32>} : memref<32x1001xf32, #tpu.memory_space<vmem>>, vector<16xf32>,
        %add3A_228 = arith.addf %add3A_212, %get3A_227 : vector<16xf32>
        %get3A_229 = arith.index_cast %add3A_160 : i32 to index
        %get3A_230 = arith.constant 272 : index
        %get3A_231 = tpu.vector_load %arg6[%get3A_229, %get3A_230] {strides = array<i32>} : memref<32x1001xf32, #tpu.memory_space<vmem>>, vector<16xf32>,
        %add3A_232 = arith.addf %add3A_216, %get3A_231 : vector<16xf32>
        %get3A_233 = arith.index_cast %add3A_160 : i32 to index
        %get3A_234 = arith.constant 288 : index
        %get3A_235 = tpu.vector_load %arg6[%get3A_233, %get3A_234] {strides = array<i32>} : memref<32x1001xf32, #tpu.memory_space<vmem>>, vector<16xf32>,
        %add3A_236 = arith.addf %add3A_220, %get3A_235 : vector<16xf32>
        %get3A_237 = arith.index_cast %add3A_160 : i32 to index
        %get3A_238 = arith.constant 304 : index
        %get3A_239 = tpu.vector_load %arg6[%get3A_237, %get3A_238] {strides = array<i32>} : memref<32x1001xf32, #tpu.memory_space<vmem>>, vector<16xf32>,
        %add3A_240 = arith.addf %add3A_224, %get3A_239 : vector<16xf32>
        %get3A_241 = arith.index_cast %add3A_160 : i32 to index
        %get3A_242 = arith.constant 320 : index
        %get3A_243 = tpu.vector_load %arg6[%get3A_241, %get3A_242] {strides = array<i32>} : memref<32x1001xf32, #tpu.memory_space<vmem>>, vector<16xf32>,
        %add3A_244 = arith.addf %add3A_228, %get3A_243 : vector<16xf32>
        %get3A_245 = arith.index_cast %add3A_160 : i32 to index
        %get3A_246 = arith.constant 336 : index
        %get3A_247 = tpu.vector_load %arg6[%get3A_245, %get3A_246] {strides = array<i32>} : memref<32x1001xf32, #tpu.memory_space<vmem>>, vector<16xf32>,
        %add3A_248 = arith.addf %add3A_232, %get3A_247 : vector<16xf32>
        %get3A_249 = arith.index_cast %add3A_160 : i32 to index
        %get3A_250 = arith.constant 352 : index
        %get3A_251 = tpu.vector_load %arg6[%get3A_249, %get3A_250] {strides = array<i32>} : memref<32x1001xf32, #tpu.memory_space<vmem>>, vector<16xf32>,
        %add3A_252 = arith.addf %add3A_236, %get3A_251 : vector<16xf32>
        %get3A_253 = arith.index_cast %add3A_160 : i32 to index
        %get3A_254 = arith.constant 368 : index
        %get3A_255 = tpu.vector_load %arg6[%get3A_253, %get3A_254] {strides = array<i32>} : memref<32x1001xf32, #tpu.memory_space<vmem>>, vector<16xf32>,
        %add3A_256 = arith.addf %add3A_240, %get3A_255 : vector<16xf32>
        %get3A_257 = arith.index_cast %add3A_160 : i32 to index
        %get3A_258 = arith.constant 384 : index
        %get3A_259 = tpu.vector_load %arg6[%get3A_257, %get3A_258] {strides = array<i32>} : memref<32x1001xf32, #tpu.memory_space<vmem>>, vector<16xf32>,
        %add3A_260 = arith.addf %add3A_244, %get3A_259 : vector<16xf32>
        %get3A_261 = arith.index_cast %add3A_160 : i32 to index
        %get3A_262 = arith.constant 400 : index
        %get3A_263 = tpu.vector_load %arg6[%get3A_261, %get3A_262] {strides = array<i32>} : memref<32x1001xf32, #tpu.memory_space<vmem>>, vector<16xf32>,
        %add3A_264 = arith.addf %add3A_248, %get3A_263 : vector<16xf32>
        %get3A_265 = arith.index_cast %add3A_160 : i32 to index
        %get3A_266 = arith.constant 416 : index
        %get3A_267 = tpu.vector_load %arg6[%get3A_265, %get3A_266] {strides = array<i32>} : memref<32x1001xf32, #tpu.memory_space<vmem>>, vector<16xf32>,
        %add3A_268 = arith.addf %add3A_252, %get3A_267 : vector<16xf32>
        %get3A_269 = arith.index_cast %add3A_160 : i32 to index
        %get3A_270 = arith.constant 432 : index
        %get3A_271 = tpu.vector_load %arg6[%get3A_269, %get3A_270] {strides = array<i32>} : memref<32x1001xf32, #tpu.memory_space<vmem>>, vector<16xf32>,
        %add3A_272 = arith.addf %add3A_256, %get3A_271 : vector<16xf32>
        %get3A_273 = arith.index_cast %add3A_160 : i32 to index
        %get3A_274 = arith.constant 448 : index
        %get3A_275 = tpu.vector_load %arg6[%get3A_273, %get3A_274] {strides = array<i32>} : memref<32x1001xf32, #tpu.memory_space<vmem>>, vector<16xf32>,
        %add3A_276 = arith.addf %add3A_260, %get3A_275 : vector<16xf32>
        %get3A_277 = arith.index_cast %add3A_160 : i32 to index
        %get3A_278 = arith.constant 464 : index
        %get3A_279 = tpu.vector_load %arg6[%get3A_277, %get3A_278] {strides = array<i32>} : memref<32x1001xf32, #tpu.memory_space<vmem>>, vector<16xf32>,
        %add3A_280 = arith.addf %add3A_264, %get3A_279 : vector<16xf32>
        %get3A_281 = arith.index_cast %add3A_160 : i32 to index
        %get3A_282 = arith.constant 480 : index
        %get3A_283 = tpu.vector_load %arg6[%get3A_281, %get3A_282] {strides = array<i32>} : memref<32x1001xf32, #tpu.memory_space<vmem>>, vector<16xf32>,
        %add3A_284 = arith.addf %add3A_268, %get3A_283 : vector<16xf32>
        %get3A_285 = arith.index_cast %add3A_160 : i32 to index
        %get3A_286 = arith.constant 496 : index
        %get3A_287 = tpu.vector_load %arg6[%get3A_285, %get3A_286] {strides = array<i32>} : memref<32x1001xf32, #tpu.memory_space<vmem>>, vector<16xf32>,
        %add3A_288 = arith.addf %add3A_272, %get3A_287 : vector<16xf32>
        %get3A_289 = arith.index_cast %add3A_160 : i32 to index
        %get3A_290 = arith.constant 512 : index
        %get3A_291 = tpu.vector_load %arg6[%get3A_289, %get3A_290] {strides = array<i32>} : memref<32x1001xf32, #tpu.memory_space<vmem>>, vector<16xf32>,
        %add3A_292 = arith.addf %add3A_276, %get3A_291 : vector<16xf32>
        %get3A_293 = arith.index_cast %add3A_160 : i32 to index
        %get3A_294 = arith.constant 528 : index
        %get3A_295 = tpu.vector_load %arg6[%get3A_293, %get3A_294] {strides = array<i32>} : memref<32x1001xf32, #tpu.memory_space<vmem>>, vector<16xf32>,
        %add3A_296 = arith.addf %add3A_280, %get3A_295 : vector<16xf32>
        %get3A_297 = arith.index_cast %add3A_160 : i32 to index
        %get3A_298 = arith.constant 544 : index
        %get3A_299 = tpu.vector_load %arg6[%get3A_297, %get3A_298] {strides = array<i32>} : memref<32x1001xf32, #tpu.memory_space<vmem>>, vector<16xf32>,
        %add3A_300 = arith.addf %add3A_284, %get3A_299 : vector<16xf32>
        %get3A_301 = arith.index_cast %add3A_160 : i32 to index
        %get3A_302 = arith.constant 560 : index
        %get3A_303 = tpu.vector_load %arg6[%get3A_301, %get3A_302] {strides = array<i32>} : memref<32x1001xf32, #tpu.memory_space<vmem>>, vector<16xf32>,
        %add3A_304 = arith.addf %add3A_288, %get3A_303 : vector<16xf32>
        %get3A_305 = arith.index_cast %add3A_160 : i32 to index
        %get3A_306 = arith.constant 576 : index
        %get3A_307 = tpu.vector_load %arg6[%get3A_305, %get3A_306] {strides = array<i32>} : memref<32x1001xf32, #tpu.memory_space<vmem>>, vector<16xf32>,
        %add3A_308 = arith.addf %add3A_292, %get3A_307 : vector<16xf32>
        %get3A_309 = arith.index_cast %add3A_160 : i32 to index
        %get3A_310 = arith.constant 592 : index
        %get3A_311 = tpu.vector_load %arg6[%get3A_309, %get3A_310] {strides = array<i32>} : memref<32x1001xf32, #tpu.memory_space<vmem>>, vector<16xf32>,
        %add3A_312 = arith.addf %add3A_296, %get3A_311 : vector<16xf32>
        %get3A_313 = arith.index_cast %add3A_160 : i32 to index
        %get3A_314 = arith.constant 608 : index
        %get3A_315 = tpu.vector_load %arg6[%get3A_313, %get3A_314] {strides = array<i32>} : memref<32x1001xf32, #tpu.memory_space<vmem>>, vector<16xf32>,
        %add3A_316 = arith.addf %add3A_300, %get3A_315 : vector<16xf32>
        %get3A_317 = arith.index_cast %add3A_160 : i32 to index
        %get3A_318 = arith.constant 624 : index
        %get3A_319 = tpu.vector_load %arg6[%get3A_317, %get3A_318] {strides = array<i32>} : memref<32x1001xf32, #tpu.memory_space<vmem>>, vector<16xf32>,
        %add3A_320 = arith.addf %add3A_304, %get3A_319 : vector<16xf32>
        %get3A_321 = arith.index_cast %add3A_160 : i32 to index
        %get3A_322 = arith.constant 640 : index
        %get3A_323 = tpu.vector_load %arg6[%get3A_321, %get3A_322] {strides = array<i32>} : memref<32x1001xf32, #tpu.memory_space<vmem>>, vector<16xf32>,
        %add3A_324 = arith.addf %add3A_308, %get3A_323 : vector<16xf32>
        %get3A_325 = arith.index_cast %add3A_160 : i32 to index
        %get3A_326 = arith.constant 656 : index
        %get3A_327 = tpu.vector_load %arg6[%get3A_325, %get3A_326] {strides = array<i32>} : memref<32x1001xf32, #tpu.memory_space<vmem>>, vector<16xf32>,
        %add3A_328 = arith.addf %add3A_312, %get3A_327 : vector<16xf32>
        %get3A_329 = arith.index_cast %add3A_160 : i32 to index
        %get3A_330 = arith.constant 672 : index
        %get3A_331 = tpu.vector_load %arg6[%get3A_329, %get3A_330] {strides = array<i32>} : memref<32x1001xf32, #tpu.memory_space<vmem>>, vector<16xf32>,
        %add3A_332 = arith.addf %add3A_316, %get3A_331 : vector<16xf32>
        %get3A_333 = arith.index_cast %add3A_160 : i32 to index
        %get3A_334 = arith.constant 688 : index
        %get3A_335 = tpu.vector_load %arg6[%get3A_333, %get3A_334] {strides = array<i32>} : memref<32x1001xf32, #tpu.memory_space<vmem>>, vector<16xf32>,
        %add3A_336 = arith.addf %add3A_320, %get3A_335 : vector<16xf32>
        %get3A_337 = arith.index_cast %add3A_160 : i32 to index
        %get3A_338 = arith.constant 704 : index
        %get3A_339 = tpu.vector_load %arg6[%get3A_337, %get3A_338] {strides = array<i32>} : memref<32x1001xf32, #tpu.memory_space<vmem>>, vector<16xf32>,
        %add3A_340 = arith.addf %add3A_324, %get3A_339 : vector<16xf32>
        %get3A_341 = arith.index_cast %add3A_160 : i32 to index
        %get3A_342 = arith.constant 720 : index
        %get3A_343 = tpu.vector_load %arg6[%get3A_341, %get3A_342] {strides = array<i32>} : memref<32x1001xf32, #tpu.memory_space<vmem>>, vector<16xf32>,
        %add3A_344 = arith.addf %add3A_328, %get3A_343 : vector<16xf32>
        %get3A_345 = arith.index_cast %add3A_160 : i32 to index
        %get3A_346 = arith.constant 736 : index
        %get3A_347 = tpu.vector_load %arg6[%get3A_345, %get3A_346] {strides = array<i32>} : memref<32x1001xf32, #tpu.memory_space<vmem>>, vector<16xf32>,
        %add3A_348 = arith.addf %add3A_332, %get3A_347 : vector<16xf32>
        %get3A_349 = arith.index_cast %add3A_160 : i32 to index
        %get3A_350 = arith.constant 752 : index
        %get3A_351 = tpu.vector_load %arg6[%get3A_349, %get3A_350] {strides = array<i32>} : memref<32x1001xf32, #tpu.memory_space<vmem>>, vector<16xf32>,
        %add3A_352 = arith.addf %add3A_336, %get3A_351 : vector<16xf32>
        %get3A_353 = arith.index_cast %add3A_160 : i32 to index
        %get3A_354 = arith.constant 768 : index
        %get3A_355 = tpu.vector_load %arg6[%get3A_353, %get3A_354] {strides = array<i32>} : memref<32x1001xf32, #tpu.memory_space<vmem>>, vector<16xf32>,
        %add3A_356 = arith.addf %add3A_340, %get3A_355 : vector<16xf32>
        %get3A_357 = arith.index_cast %add3A_160 : i32 to index
        %get3A_358 = arith.constant 784 : index
        %get3A_359 = tpu.vector_load %arg6[%get3A_357, %get3A_358] {strides = array<i32>} : memref<32x1001xf32, #tpu.memory_space<vmem>>, vector<16xf32>,
        %add3A_360 = arith.addf %add3A_344, %get3A_359 : vector<16xf32>
        %get3A_361 = arith.index_cast %add3A_160 : i32 to index
        %get3A_362 = arith.constant 800 : index
        %get3A_363 = tpu.vector_load %arg6[%get3A_361, %get3A_362] {strides = array<i32>} : memref<32x1001xf32, #tpu.memory_space<vmem>>, vector<16xf32>,
        %add3A_364 = arith.addf %add3A_348, %get3A_363 : vector<16xf32>
        %get3A_365 = arith.index_cast %add3A_160 : i32 to index
        %get3A_366 = arith.constant 816 : index
        %get3A_367 = tpu.vector_load %arg6[%get3A_365, %get3A_366] {strides = array<i32>} : memref<32x1001xf32, #tpu.memory_space<vmem>>, vector<16xf32>,
        %add3A_368 = arith.addf %add3A_352, %get3A_367 : vector<16xf32>
        %get3A_369 = arith.index_cast %add3A_160 : i32 to index
        %get3A_370 = arith.constant 832 : index
        %get3A_371 = tpu.vector_load %arg6[%get3A_369, %get3A_370] {strides = array<i32>} : memref<32x1001xf32, #tpu.memory_space<vmem>>, vector<16xf32>,
        %add3A_372 = arith.addf %add3A_356, %get3A_371 : vector<16xf32>
        %get3A_373 = arith.index_cast %add3A_160 : i32 to index
        %get3A_374 = arith.constant 848 : index
        %get3A_375 = tpu.vector_load %arg6[%get3A_373, %get3A_374] {strides = array<i32>} : memref<32x1001xf32, #tpu.memory_space<vmem>>, vector<16xf32>,
        %add3A_376 = arith.addf %add3A_360, %get3A_375 : vector<16xf32>
        %get3A_377 = arith.index_cast %add3A_160 : i32 to index
        %get3A_378 = arith.constant 864 : index
        %get3A_379 = tpu.vector_load %arg6[%get3A_377, %get3A_378] {strides = array<i32>} : memref<32x1001xf32, #tpu.memory_space<vmem>>, vector<16xf32>,
        %add3A_380 = arith.addf %add3A_364, %get3A_379 : vector<16xf32>
        %get3A_381 = arith.index_cast %add3A_160 : i32 to index
        %get3A_382 = arith.constant 880 : index
        %get3A_383 = tpu.vector_load %arg6[%get3A_381, %get3A_382] {strides = array<i32>} : memref<32x1001xf32, #tpu.memory_space<vmem>>, vector<16xf32>,
        %add3A_384 = arith.addf %add3A_368, %get3A_383 : vector<16xf32>
        %get3A_385 = arith.index_cast %add3A_160 : i32 to index
        %get3A_386 = arith.constant 896 : index
        %get3A_387 = tpu.vector_load %arg6[%get3A_385, %get3A_386] {strides = array<i32>} : memref<32x1001xf32, #tpu.memory_space<vmem>>, vector<16xf32>,
        %add3A_388 = arith.addf %add3A_372, %get3A_387 : vector<16xf32>
        %get3A_389 = arith.index_cast %add3A_160 : i32 to index
        %get3A_390 = arith.constant 912 : index
        %get3A_391 = tpu.vector_load %arg6[%get3A_389, %get3A_390] {strides = array<i32>} : memref<32x1001xf32, #tpu.memory_space<vmem>>, vector<16xf32>,
        %add3A_392 = arith.addf %add3A_376, %get3A_391 : vector<16xf32>
        %get3A_393 = arith.index_cast %add3A_160 : i32 to index
        %get3A_394 = arith.constant 928 : index
        %get3A_395 = tpu.vector_load %arg6[%get3A_393, %get3A_394] {strides = array<i32>} : memref<32x1001xf32, #tpu.memory_space<vmem>>, vector<16xf32>,
        %add3A_396 = arith.addf %add3A_380, %get3A_395 : vector<16xf32>
        %get3A_397 = arith.index_cast %add3A_160 : i32 to index
        %get3A_398 = arith.constant 944 : index
        %get3A_399 = tpu.vector_load %arg6[%get3A_397, %get3A_398] {strides = array<i32>} : memref<32x1001xf32, #tpu.memory_space<vmem>>, vector<16xf32>,
        %add3A_400 = arith.addf %add3A_384, %get3A_399 : vector<16xf32>
        %get3A_401 = arith.index_cast %add3A_160 : i32 to index
        %get3A_402 = arith.constant 960 : index
        %get3A_403 = tpu.vector_load %arg6[%get3A_401, %get3A_402] {strides = array<i32>} : memref<32x1001xf32, #tpu.memory_space<vmem>>, vector<16xf32>,
        %add3A_404 = arith.addf %add3A_388, %get3A_403 : vector<16xf32>
        %get3A_405 = arith.index_cast %add3A_160 : i32 to index
        %get3A_406 = arith.constant 976 : index
        %get3A_407 = tpu.vector_load %arg6[%get3A_405, %get3A_406] {strides = array<i32>} : memref<32x1001xf32, #tpu.memory_space<vmem>>, vector<16xf32>,
        %add3A_408 = arith.addf %add3A_392, %get3A_407 : vector<16xf32>
        %get3A_409 = arith.index_cast %add3A_160 : i32 to index
        %get3A_410 = arith.constant 984 : index
        %get3A_411 = tpu.vector_load %arg6[%get3A_409, %get3A_410] {strides = array<i32>} : memref<32x1001xf32, #tpu.memory_space<vmem>>, vector<16xf32>,
        %mul3A_412 = arith.mulf %get3A_411, %convert_element_type3A_8 : vector<16xf32>
        %add3A_413 = arith.addf %add3A_404, %add3A_408 : vector<16xf32>
        %add3A_414 = arith.addf %add3A_396, %add3A_400 : vector<16xf32>
        %add3A_415 = arith.addf %add3A_413, %add3A_414 : vector<16xf32>
        %add3A_416 = arith.addf %add3A_415, %mul3A_412 : vector<16xf32>
        %reduce_sum3A = arith.constant true
        %reduce_sum3A_417 = vector.broadcast %reduce_sum3A : i1 to vector<16xi1>
        %reduce_sum3A_418 = tpu.scan <sum>, %add3A_416 masked %reduce_sum3A_417 : vector<16xf32>, vector<16xi1> -> vector<16xf32>
        %reduce_sum3A_419 = vector.extract %reduce_sum3A_418[15] : f32 from vector<16xf32>
        %eq3A = vector.broadcast %scan3A_157 : i32 to vector<16xi32>
        %eq3A_420 = arith.cmpi eq, %iota3A, %eq3A : vector<16xi32>
        %convert_element_type3A_421 = arith.extui %eq3A_420 : vector<16xi1> to vector<16xi32>
        %convert_element_type3A_422 = arith.sitofp %convert_element_type3A_421 : vector<16xi32> to vector<16xf32>
        %mul3A_423 = vector.broadcast %reduce_sum3A_419 : f32 to vector<16xf32>
        %mul3A_424 = arith.mulf %mul3A_423, %convert_element_type3A_422 : vector<16xf32>
        %add3A_425 = arith.addf %scan3A_158, %mul3A_424 : vector<16xf32>
        scf.yield %add3A_425 : vector<16xf32>
      }
      %scan3A_114 = arith.constant 16 : i32
      %mul3A_115 = arith.constant 32 : i32
      %mul3A_116 = arith.muli %add3A_95, %mul3A_115 : i32
      %add3A_117 = arith.constant 0 : i32
      %add3A_118 = arith.addi %mul3A_116, %add3A_117 : i32
      %get3A_119 = arith.index_cast %add3A_118 : i32 to index
      %get3A_120 = tpu.vector_load %arg7[%get3A_119] {strides = array<i32>} : memref<512xi32, #tpu.memory_space<vmem>>, vector<16xi32>,
      %gather3A_121 = tpu.vector_load_idx %arg6[%add3A_108, %get3A_120] : memref<32x1001xf32, #tpu.memory_space<vmem>>[vector<16xi32>, vector<16xi32>], vector<16xf32>,
      %mul3A_122 = arith.constant 1.000000e-03 : f32
      %mul3A_123 = vector.broadcast %mul3A_122 : f32 to vector<16xf32>
      %mul3A_124 = arith.mulf %scan3A_113, %mul3A_123 : vector<16xf32>
      %sub3A_125 = arith.subf %gather3A_121, %mul3A_124 : vector<16xf32>
      %swap3A_126 = arith.index_cast %add3A_118 : i32 to index
      %swap3A_127 = tpu.vector_load %arg8[%swap3A_126] {strides = array<i32>} : memref<512xf32, #tpu.memory_space<vmem>>, vector<16xf32>,
      tpu.vector_store %arg8[%swap3A_126], %sub3A_125 {strides = array<i32>} : memref<512xf32, #tpu.memory_space<vmem>>, vector<16xf32>,
      %add3A_128 = arith.constant 16 : i32
      %add3A_129 = vector.broadcast %add3A_128 : i32 to vector<16xi32>
      %add3A_130 = arith.addi %add3A_129, %iota3A : vector<16xi32>
      %scan3A_131 = arith.constant 0 : i32
      %scan3A_132 = arith.constant 16 : i32
      %scan3A_133 = arith.addi %scan3A_131, %scan3A_132 : i32
      %scan3A_134 = arith.constant 1 : i32
      %scan3A_135 = scf.for %scan3A_157 = %scan3A_131 to %scan3A_133 step %scan3A_134 iter_args(%scan3A_158 = %broadcast_in_dim3A_5) -> (vector<16xf32>)  : i32 {
        %add3A_159 = arith.constant 16 : i32
        %add3A_160 = arith.addi %add3A_159, %scan3A_157 : i32
        %get3A_161 = arith.index_cast %add3A_160 : i32 to index
        %get3A_162 = arith.constant 0 : index
        %get3A_163 = tpu.vector_load %arg6[%get3A_161, %get3A_162] {strides = array<i32>} : memref<32x1001xf32, #tpu.memory_space<vmem>>, vector<16xf32>,
        %add3A_164 = arith.addf %broadcast_in_dim3A_5, %get3A_163 : vector<16xf32>
        %get3A_165 = arith.index_cast %add3A_160 : i32 to index
        %get3A_166 = arith.constant 16 : index
        %get3A_167 = tpu.vector_load %arg6[%get3A_165, %get3A_166] {strides = array<i32>} : memref<32x1001xf32, #tpu.memory_space<vmem>>, vector<16xf32>,
        %add3A_168 = arith.addf %broadcast_in_dim3A_5, %get3A_167 : vector<16xf32>
        %get3A_169 = arith.index_cast %add3A_160 : i32 to index
        %get3A_170 = arith.constant 32 : index
        %get3A_171 = tpu.vector_load %arg6[%get3A_169, %get3A_170] {strides = array<i32>} : memref<32x1001xf32, #tpu.memory_space<vmem>>, vector<16xf32>,
        %add3A_172 = arith.addf %broadcast_in_dim3A_5, %get3A_171 : vector<16xf32>
        %get3A_173 = arith.index_cast %add3A_160 : i32 to index
        %get3A_174 = arith.constant 48 : index
        %get3A_175 = tpu.vector_load %arg6[%get3A_173, %get3A_174] {strides = array<i32>} : memref<32x1001xf32, #tpu.memory_space<vmem>>, vector<16xf32>,
        %add3A_176 = arith.addf %broadcast_in_dim3A_5, %get3A_175 : vector<16xf32>
        %get3A_177 = arith.index_cast %add3A_160 : i32 to index
        %get3A_178 = arith.constant 64 : index
        %get3A_179 = tpu.vector_load %arg6[%get3A_177, %get3A_178] {strides = array<i32>} : memref<32x1001xf32, #tpu.memory_space<vmem>>, vector<16xf32>,
        %add3A_180 = arith.addf %add3A_164, %get3A_179 : vector<16xf32>
        %get3A_181 = arith.index_cast %add3A_160 : i32 to index
        %get3A_182 = arith.constant 80 : index
        %get3A_183 = tpu.vector_load %arg6[%get3A_181, %get3A_182] {strides = array<i32>} : memref<32x1001xf32, #tpu.memory_space<vmem>>, vector<16xf32>,
        %add3A_184 = arith.addf %add3A_168, %get3A_183 : vector<16xf32>
        %get3A_185 = arith.index_cast %add3A_160 : i32 to index
        %get3A_186 = arith.constant 96 : index
        %get3A_187 = tpu.vector_load %arg6[%get3A_185, %get3A_186] {strides = array<i32>} : memref<32x1001xf32, #tpu.memory_space<vmem>>, vector<16xf32>,
        %add3A_188 = arith.addf %add3A_172, %get3A_187 : vector<16xf32>
        %get3A_189 = arith.index_cast %add3A_160 : i32 to index
        %get3A_190 = arith.constant 112 : index
        %get3A_191 = tpu.vector_load %arg6[%get3A_189, %get3A_190] {strides = array<i32>} : memref<32x1001xf32, #tpu.memory_space<vmem>>, vector<16xf32>,
        %add3A_192 = arith.addf %add3A_176, %get3A_191 : vector<16xf32>
        %get3A_193 = arith.index_cast %add3A_160 : i32 to index
        %get3A_194 = arith.constant 128 : index
        %get3A_195 = tpu.vector_load %arg6[%get3A_193, %get3A_194] {strides = array<i32>} : memref<32x1001xf32, #tpu.memory_space<vmem>>, vector<16xf32>,
        %add3A_196 = arith.addf %add3A_180, %get3A_195 : vector<16xf32>
        %get3A_197 = arith.index_cast %add3A_160 : i32 to index
        %get3A_198 = arith.constant 144 : index
        %get3A_199 = tpu.vector_load %arg6[%get3A_197, %get3A_198] {strides = array<i32>} : memref<32x1001xf32, #tpu.memory_space<vmem>>, vector<16xf32>,
        %add3A_200 = arith.addf %add3A_184, %get3A_199 : vector<16xf32>
        %get3A_201 = arith.index_cast %add3A_160 : i32 to index
        %get3A_202 = arith.constant 160 : index
        %get3A_203 = tpu.vector_load %arg6[%get3A_201, %get3A_202] {strides = array<i32>} : memref<32x1001xf32, #tpu.memory_space<vmem>>, vector<16xf32>,
        %add3A_204 = arith.addf %add3A_188, %get3A_203 : vector<16xf32>
        %get3A_205 = arith.index_cast %add3A_160 : i32 to index
        %get3A_206 = arith.constant 176 : index
        %get3A_207 = tpu.vector_load %arg6[%get3A_205, %get3A_206] {strides = array<i32>} : memref<32x1001xf32, #tpu.memory_space<vmem>>, vector<16xf32>,
        %add3A_208 = arith.addf %add3A_192, %get3A_207 : vector<16xf32>
        %get3A_209 = arith.index_cast %add3A_160 : i32 to index
        %get3A_210 = arith.constant 192 : index
        %get3A_211 = tpu.vector_load %arg6[%get3A_209, %get3A_210] {strides = array<i32>} : memref<32x1001xf32, #tpu.memory_space<vmem>>, vector<16xf32>,
        %add3A_212 = arith.addf %add3A_196, %get3A_211 : vector<16xf32>
        %get3A_213 = arith.index_cast %add3A_160 : i32 to index
        %get3A_214 = arith.constant 208 : index
        %get3A_215 = tpu.vector_load %arg6[%get3A_213, %get3A_214] {strides = array<i32>} : memref<32x1001xf32, #tpu.memory_space<vmem>>, vector<16xf32>,
        %add3A_216 = arith.addf %add3A_200, %get3A_215 : vector<16xf32>
        %get3A_217 = arith.index_cast %add3A_160 : i32 to index
        %get3A_218 = arith.constant 224 : index
        %get3A_219 = tpu.vector_load %arg6[%get3A_217, %get3A_218] {strides = array<i32>} : memref<32x1001xf32, #tpu.memory_space<vmem>>, vector<16xf32>,
        %add3A_220 = arith.addf %add3A_204, %get3A_219 : vector<16xf32>
        %get3A_221 = arith.index_cast %add3A_160 : i32 to index
        %get3A_222 = arith.constant 240 : index
        %get3A_223 = tpu.vector_load %arg6[%get3A_221, %get3A_222] {strides = array<i32>} : memref<32x1001xf32, #tpu.memory_space<vmem>>, vector<16xf32>,
        %add3A_224 = arith.addf %add3A_208, %get3A_223 : vector<16xf32>
        %get3A_225 = arith.index_cast %add3A_160 : i32 to index
        %get3A_226 = arith.constant 256 : index
        %get3A_227 = tpu.vector_load %arg6[%get3A_225, %get3A_226] {strides = array<i32>} : memref<32x1001xf32, #tpu.memory_space<vmem>>, vector<16xf32>,
        %add3A_228 = arith.addf %add3A_212, %get3A_227 : vector<16xf32>
        %get3A_229 = arith.index_cast %add3A_160 : i32 to index
        %get3A_230 = arith.constant 272 : index
        %get3A_231 = tpu.vector_load %arg6[%get3A_229, %get3A_230] {strides = array<i32>} : memref<32x1001xf32, #tpu.memory_space<vmem>>, vector<16xf32>,
        %add3A_232 = arith.addf %add3A_216, %get3A_231 : vector<16xf32>
        %get3A_233 = arith.index_cast %add3A_160 : i32 to index
        %get3A_234 = arith.constant 288 : index
        %get3A_235 = tpu.vector_load %arg6[%get3A_233, %get3A_234] {strides = array<i32>} : memref<32x1001xf32, #tpu.memory_space<vmem>>, vector<16xf32>,
        %add3A_236 = arith.addf %add3A_220, %get3A_235 : vector<16xf32>
        %get3A_237 = arith.index_cast %add3A_160 : i32 to index
        %get3A_238 = arith.constant 304 : index
        %get3A_239 = tpu.vector_load %arg6[%get3A_237, %get3A_238] {strides = array<i32>} : memref<32x1001xf32, #tpu.memory_space<vmem>>, vector<16xf32>,
        %add3A_240 = arith.addf %add3A_224, %get3A_239 : vector<16xf32>
        %get3A_241 = arith.index_cast %add3A_160 : i32 to index
        %get3A_242 = arith.constant 320 : index
        %get3A_243 = tpu.vector_load %arg6[%get3A_241, %get3A_242] {strides = array<i32>} : memref<32x1001xf32, #tpu.memory_space<vmem>>, vector<16xf32>,
        %add3A_244 = arith.addf %add3A_228, %get3A_243 : vector<16xf32>
        %get3A_245 = arith.index_cast %add3A_160 : i32 to index
        %get3A_246 = arith.constant 336 : index
        %get3A_247 = tpu.vector_load %arg6[%get3A_245, %get3A_246] {strides = array<i32>} : memref<32x1001xf32, #tpu.memory_space<vmem>>, vector<16xf32>,
        %add3A_248 = arith.addf %add3A_232, %get3A_247 : vector<16xf32>
        %get3A_249 = arith.index_cast %add3A_160 : i32 to index
        %get3A_250 = arith.constant 352 : index
        %get3A_251 = tpu.vector_load %arg6[%get3A_249, %get3A_250] {strides = array<i32>} : memref<32x1001xf32, #tpu.memory_space<vmem>>, vector<16xf32>,
        %add3A_252 = arith.addf %add3A_236, %get3A_251 : vector<16xf32>
        %get3A_253 = arith.index_cast %add3A_160 : i32 to index
        %get3A_254 = arith.constant 368 : index
        %get3A_255 = tpu.vector_load %arg6[%get3A_253, %get3A_254] {strides = array<i32>} : memref<32x1001xf32, #tpu.memory_space<vmem>>, vector<16xf32>,
        %add3A_256 = arith.addf %add3A_240, %get3A_255 : vector<16xf32>
        %get3A_257 = arith.index_cast %add3A_160 : i32 to index
        %get3A_258 = arith.constant 384 : index
        %get3A_259 = tpu.vector_load %arg6[%get3A_257, %get3A_258] {strides = array<i32>} : memref<32x1001xf32, #tpu.memory_space<vmem>>, vector<16xf32>,
        %add3A_260 = arith.addf %add3A_244, %get3A_259 : vector<16xf32>
        %get3A_261 = arith.index_cast %add3A_160 : i32 to index
        %get3A_262 = arith.constant 400 : index
        %get3A_263 = tpu.vector_load %arg6[%get3A_261, %get3A_262] {strides = array<i32>} : memref<32x1001xf32, #tpu.memory_space<vmem>>, vector<16xf32>,
        %add3A_264 = arith.addf %add3A_248, %get3A_263 : vector<16xf32>
        %get3A_265 = arith.index_cast %add3A_160 : i32 to index
        %get3A_266 = arith.constant 416 : index
        %get3A_267 = tpu.vector_load %arg6[%get3A_265, %get3A_266] {strides = array<i32>} : memref<32x1001xf32, #tpu.memory_space<vmem>>, vector<16xf32>,
        %add3A_268 = arith.addf %add3A_252, %get3A_267 : vector<16xf32>
        %get3A_269 = arith.index_cast %add3A_160 : i32 to index
        %get3A_270 = arith.constant 432 : index
        %get3A_271 = tpu.vector_load %arg6[%get3A_269, %get3A_270] {strides = array<i32>} : memref<32x1001xf32, #tpu.memory_space<vmem>>, vector<16xf32>,
        %add3A_272 = arith.addf %add3A_256, %get3A_271 : vector<16xf32>
        %get3A_273 = arith.index_cast %add3A_160 : i32 to index
        %get3A_274 = arith.constant 448 : index
        %get3A_275 = tpu.vector_load %arg6[%get3A_273, %get3A_274] {strides = array<i32>} : memref<32x1001xf32, #tpu.memory_space<vmem>>, vector<16xf32>,
        %add3A_276 = arith.addf %add3A_260, %get3A_275 : vector<16xf32>
        %get3A_277 = arith.index_cast %add3A_160 : i32 to index
        %get3A_278 = arith.constant 464 : index
        %get3A_279 = tpu.vector_load %arg6[%get3A_277, %get3A_278] {strides = array<i32>} : memref<32x1001xf32, #tpu.memory_space<vmem>>, vector<16xf32>,
        %add3A_280 = arith.addf %add3A_264, %get3A_279 : vector<16xf32>
        %get3A_281 = arith.index_cast %add3A_160 : i32 to index
        %get3A_282 = arith.constant 480 : index
        %get3A_283 = tpu.vector_load %arg6[%get3A_281, %get3A_282] {strides = array<i32>} : memref<32x1001xf32, #tpu.memory_space<vmem>>, vector<16xf32>,
        %add3A_284 = arith.addf %add3A_268, %get3A_283 : vector<16xf32>
        %get3A_285 = arith.index_cast %add3A_160 : i32 to index
        %get3A_286 = arith.constant 496 : index
        %get3A_287 = tpu.vector_load %arg6[%get3A_285, %get3A_286] {strides = array<i32>} : memref<32x1001xf32, #tpu.memory_space<vmem>>, vector<16xf32>,
        %add3A_288 = arith.addf %add3A_272, %get3A_287 : vector<16xf32>
        %get3A_289 = arith.index_cast %add3A_160 : i32 to index
        %get3A_290 = arith.constant 512 : index
        %get3A_291 = tpu.vector_load %arg6[%get3A_289, %get3A_290] {strides = array<i32>} : memref<32x1001xf32, #tpu.memory_space<vmem>>, vector<16xf32>,
        %add3A_292 = arith.addf %add3A_276, %get3A_291 : vector<16xf32>
        %get3A_293 = arith.index_cast %add3A_160 : i32 to index
        %get3A_294 = arith.constant 528 : index
        %get3A_295 = tpu.vector_load %arg6[%get3A_293, %get3A_294] {strides = array<i32>} : memref<32x1001xf32, #tpu.memory_space<vmem>>, vector<16xf32>,
        %add3A_296 = arith.addf %add3A_280, %get3A_295 : vector<16xf32>
        %get3A_297 = arith.index_cast %add3A_160 : i32 to index
        %get3A_298 = arith.constant 544 : index
        %get3A_299 = tpu.vector_load %arg6[%get3A_297, %get3A_298] {strides = array<i32>} : memref<32x1001xf32, #tpu.memory_space<vmem>>, vector<16xf32>,
        %add3A_300 = arith.addf %add3A_284, %get3A_299 : vector<16xf32>
        %get3A_301 = arith.index_cast %add3A_160 : i32 to index
        %get3A_302 = arith.constant 560 : index
        %get3A_303 = tpu.vector_load %arg6[%get3A_301, %get3A_302] {strides = array<i32>} : memref<32x1001xf32, #tpu.memory_space<vmem>>, vector<16xf32>,
        %add3A_304 = arith.addf %add3A_288, %get3A_303 : vector<16xf32>
        %get3A_305 = arith.index_cast %add3A_160 : i32 to index
        %get3A_306 = arith.constant 576 : index
        %get3A_307 = tpu.vector_load %arg6[%get3A_305, %get3A_306] {strides = array<i32>} : memref<32x1001xf32, #tpu.memory_space<vmem>>, vector<16xf32>,
        %add3A_308 = arith.addf %add3A_292, %get3A_307 : vector<16xf32>
        %get3A_309 = arith.index_cast %add3A_160 : i32 to index
        %get3A_310 = arith.constant 592 : index
        %get3A_311 = tpu.vector_load %arg6[%get3A_309, %get3A_310] {strides = array<i32>} : memref<32x1001xf32, #tpu.memory_space<vmem>>, vector<16xf32>,
        %add3A_312 = arith.addf %add3A_296, %get3A_311 : vector<16xf32>
        %get3A_313 = arith.index_cast %add3A_160 : i32 to index
        %get3A_314 = arith.constant 608 : index
        %get3A_315 = tpu.vector_load %arg6[%get3A_313, %get3A_314] {strides = array<i32>} : memref<32x1001xf32, #tpu.memory_space<vmem>>, vector<16xf32>,
        %add3A_316 = arith.addf %add3A_300, %get3A_315 : vector<16xf32>
        %get3A_317 = arith.index_cast %add3A_160 : i32 to index
        %get3A_318 = arith.constant 624 : index
        %get3A_319 = tpu.vector_load %arg6[%get3A_317, %get3A_318] {strides = array<i32>} : memref<32x1001xf32, #tpu.memory_space<vmem>>, vector<16xf32>,
        %add3A_320 = arith.addf %add3A_304, %get3A_319 : vector<16xf32>
        %get3A_321 = arith.index_cast %add3A_160 : i32 to index
        %get3A_322 = arith.constant 640 : index
        %get3A_323 = tpu.vector_load %arg6[%get3A_321, %get3A_322] {strides = array<i32>} : memref<32x1001xf32, #tpu.memory_space<vmem>>, vector<16xf32>,
        %add3A_324 = arith.addf %add3A_308, %get3A_323 : vector<16xf32>
        %get3A_325 = arith.index_cast %add3A_160 : i32 to index
        %get3A_326 = arith.constant 656 : index
        %get3A_327 = tpu.vector_load %arg6[%get3A_325, %get3A_326] {strides = array<i32>} : memref<32x1001xf32, #tpu.memory_space<vmem>>, vector<16xf32>,
        %add3A_328 = arith.addf %add3A_312, %get3A_327 : vector<16xf32>
        %get3A_329 = arith.index_cast %add3A_160 : i32 to index
        %get3A_330 = arith.constant 672 : index
        %get3A_331 = tpu.vector_load %arg6[%get3A_329, %get3A_330] {strides = array<i32>} : memref<32x1001xf32, #tpu.memory_space<vmem>>, vector<16xf32>,
        %add3A_332 = arith.addf %add3A_316, %get3A_331 : vector<16xf32>
        %get3A_333 = arith.index_cast %add3A_160 : i32 to index
        %get3A_334 = arith.constant 688 : index
        %get3A_335 = tpu.vector_load %arg6[%get3A_333, %get3A_334] {strides = array<i32>} : memref<32x1001xf32, #tpu.memory_space<vmem>>, vector<16xf32>,
        %add3A_336 = arith.addf %add3A_320, %get3A_335 : vector<16xf32>
        %get3A_337 = arith.index_cast %add3A_160 : i32 to index
        %get3A_338 = arith.constant 704 : index
        %get3A_339 = tpu.vector_load %arg6[%get3A_337, %get3A_338] {strides = array<i32>} : memref<32x1001xf32, #tpu.memory_space<vmem>>, vector<16xf32>,
        %add3A_340 = arith.addf %add3A_324, %get3A_339 : vector<16xf32>
        %get3A_341 = arith.index_cast %add3A_160 : i32 to index
        %get3A_342 = arith.constant 720 : index
        %get3A_343 = tpu.vector_load %arg6[%get3A_341, %get3A_342] {strides = array<i32>} : memref<32x1001xf32, #tpu.memory_space<vmem>>, vector<16xf32>,
        %add3A_344 = arith.addf %add3A_328, %get3A_343 : vector<16xf32>
        %get3A_345 = arith.index_cast %add3A_160 : i32 to index
        %get3A_346 = arith.constant 736 : index
        %get3A_347 = tpu.vector_load %arg6[%get3A_345, %get3A_346] {strides = array<i32>} : memref<32x1001xf32, #tpu.memory_space<vmem>>, vector<16xf32>,
        %add3A_348 = arith.addf %add3A_332, %get3A_347 : vector<16xf32>
        %get3A_349 = arith.index_cast %add3A_160 : i32 to index
        %get3A_350 = arith.constant 752 : index
        %get3A_351 = tpu.vector_load %arg6[%get3A_349, %get3A_350] {strides = array<i32>} : memref<32x1001xf32, #tpu.memory_space<vmem>>, vector<16xf32>,
        %add3A_352 = arith.addf %add3A_336, %get3A_351 : vector<16xf32>
        %get3A_353 = arith.index_cast %add3A_160 : i32 to index
        %get3A_354 = arith.constant 768 : index
        %get3A_355 = tpu.vector_load %arg6[%get3A_353, %get3A_354] {strides = array<i32>} : memref<32x1001xf32, #tpu.memory_space<vmem>>, vector<16xf32>,
        %add3A_356 = arith.addf %add3A_340, %get3A_355 : vector<16xf32>
        %get3A_357 = arith.index_cast %add3A_160 : i32 to index
        %get3A_358 = arith.constant 784 : index
        %get3A_359 = tpu.vector_load %arg6[%get3A_357, %get3A_358] {strides = array<i32>} : memref<32x1001xf32, #tpu.memory_space<vmem>>, vector<16xf32>,
        %add3A_360 = arith.addf %add3A_344, %get3A_359 : vector<16xf32>
        %get3A_361 = arith.index_cast %add3A_160 : i32 to index
        %get3A_362 = arith.constant 800 : index
        %get3A_363 = tpu.vector_load %arg6[%get3A_361, %get3A_362] {strides = array<i32>} : memref<32x1001xf32, #tpu.memory_space<vmem>>, vector<16xf32>,
        %add3A_364 = arith.addf %add3A_348, %get3A_363 : vector<16xf32>
        %get3A_365 = arith.index_cast %add3A_160 : i32 to index
        %get3A_366 = arith.constant 816 : index
        %get3A_367 = tpu.vector_load %arg6[%get3A_365, %get3A_366] {strides = array<i32>} : memref<32x1001xf32, #tpu.memory_space<vmem>>, vector<16xf32>,
        %add3A_368 = arith.addf %add3A_352, %get3A_367 : vector<16xf32>
        %get3A_369 = arith.index_cast %add3A_160 : i32 to index
        %get3A_370 = arith.constant 832 : index
        %get3A_371 = tpu.vector_load %arg6[%get3A_369, %get3A_370] {strides = array<i32>} : memref<32x1001xf32, #tpu.memory_space<vmem>>, vector<16xf32>,
        %add3A_372 = arith.addf %add3A_356, %get3A_371 : vector<16xf32>
        %get3A_373 = arith.index_cast %add3A_160 : i32 to index
        %get3A_374 = arith.constant 848 : index
        %get3A_375 = tpu.vector_load %arg6[%get3A_373, %get3A_374] {strides = array<i32>} : memref<32x1001xf32, #tpu.memory_space<vmem>>, vector<16xf32>,
        %add3A_376 = arith.addf %add3A_360, %get3A_375 : vector<16xf32>
        %get3A_377 = arith.index_cast %add3A_160 : i32 to index
        %get3A_378 = arith.constant 864 : index
        %get3A_379 = tpu.vector_load %arg6[%get3A_377, %get3A_378] {strides = array<i32>} : memref<32x1001xf32, #tpu.memory_space<vmem>>, vector<16xf32>,
        %add3A_380 = arith.addf %add3A_364, %get3A_379 : vector<16xf32>
        %get3A_381 = arith.index_cast %add3A_160 : i32 to index
        %get3A_382 = arith.constant 880 : index
        %get3A_383 = tpu.vector_load %arg6[%get3A_381, %get3A_382] {strides = array<i32>} : memref<32x1001xf32, #tpu.memory_space<vmem>>, vector<16xf32>,
        %add3A_384 = arith.addf %add3A_368, %get3A_383 : vector<16xf32>
        %get3A_385 = arith.index_cast %add3A_160 : i32 to index
        %get3A_386 = arith.constant 896 : index
        %get3A_387 = tpu.vector_load %arg6[%get3A_385, %get3A_386] {strides = array<i32>} : memref<32x1001xf32, #tpu.memory_space<vmem>>, vector<16xf32>,
        %add3A_388 = arith.addf %add3A_372, %get3A_387 : vector<16xf32>
        %get3A_389 = arith.index_cast %add3A_160 : i32 to index
        %get3A_390 = arith.constant 912 : index
        %get3A_391 = tpu.vector_load %arg6[%get3A_389, %get3A_390] {strides = array<i32>} : memref<32x1001xf32, #tpu.memory_space<vmem>>, vector<16xf32>,
        %add3A_392 = arith.addf %add3A_376, %get3A_391 : vector<16xf32>
        %get3A_393 = arith.index_cast %add3A_160 : i32 to index
        %get3A_394 = arith.constant 928 : index
        %get3A_395 = tpu.vector_load %arg6[%get3A_393, %get3A_394] {strides = array<i32>} : memref<32x1001xf32, #tpu.memory_space<vmem>>, vector<16xf32>,
        %add3A_396 = arith.addf %add3A_380, %get3A_395 : vector<16xf32>
        %get3A_397 = arith.index_cast %add3A_160 : i32 to index
        %get3A_398 = arith.constant 944 : index
        %get3A_399 = tpu.vector_load %arg6[%get3A_397, %get3A_398] {strides = array<i32>} : memref<32x1001xf32, #tpu.memory_space<vmem>>, vector<16xf32>,
        %add3A_400 = arith.addf %add3A_384, %get3A_399 : vector<16xf32>
        %get3A_401 = arith.index_cast %add3A_160 : i32 to index
        %get3A_402 = arith.constant 960 : index
        %get3A_403 = tpu.vector_load %arg6[%get3A_401, %get3A_402] {strides = array<i32>} : memref<32x1001xf32, #tpu.memory_space<vmem>>, vector<16xf32>,
        %add3A_404 = arith.addf %add3A_388, %get3A_403 : vector<16xf32>
        %get3A_405 = arith.index_cast %add3A_160 : i32 to index
        %get3A_406 = arith.constant 976 : index
        %get3A_407 = tpu.vector_load %arg6[%get3A_405, %get3A_406] {strides = array<i32>} : memref<32x1001xf32, #tpu.memory_space<vmem>>, vector<16xf32>,
        %add3A_408 = arith.addf %add3A_392, %get3A_407 : vector<16xf32>
        %get3A_409 = arith.index_cast %add3A_160 : i32 to index
        %get3A_410 = arith.constant 984 : index
        %get3A_411 = tpu.vector_load %arg6[%get3A_409, %get3A_410] {strides = array<i32>} : memref<32x1001xf32, #tpu.memory_space<vmem>>, vector<16xf32>,
        %mul3A_412 = arith.mulf %get3A_411, %convert_element_type3A_8 : vector<16xf32>
        %add3A_413 = arith.addf %add3A_404, %add3A_408 : vector<16xf32>
        %add3A_414 = arith.addf %add3A_396, %add3A_400 : vector<16xf32>
        %add3A_415 = arith.addf %add3A_413, %add3A_414 : vector<16xf32>
        %add3A_416 = arith.addf %add3A_415, %mul3A_412 : vector<16xf32>
        %reduce_sum3A = arith.constant true
        %reduce_sum3A_417 = vector.broadcast %reduce_sum3A : i1 to vector<16xi1>
        %reduce_sum3A_418 = tpu.scan <sum>, %add3A_416 masked %reduce_sum3A_417 : vector<16xf32>, vector<16xi1> -> vector<16xf32>
        %reduce_sum3A_419 = vector.extract %reduce_sum3A_418[15] : f32 from vector<16xf32>
        %eq3A = vector.broadcast %scan3A_157 : i32 to vector<16xi32>
        %eq3A_420 = arith.cmpi eq, %iota3A, %eq3A : vector<16xi32>
        %convert_element_type3A_421 = arith.extui %eq3A_420 : vector<16xi1> to vector<16xi32>
        %convert_element_type3A_422 = arith.sitofp %convert_element_type3A_421 : vector<16xi32> to vector<16xf32>
        %mul3A_423 = vector.broadcast %reduce_sum3A_419 : f32 to vector<16xf32>
        %mul3A_424 = arith.mulf %mul3A_423, %convert_element_type3A_422 : vector<16xf32>
        %add3A_425 = arith.addf %scan3A_158, %mul3A_424 : vector<16xf32>
        scf.yield %add3A_425 : vector<16xf32>
      }
      %scan3A_136 = arith.constant 16 : i32
      %mul3A_137 = arith.constant 32 : i32
      %mul3A_138 = arith.muli %add3A_95, %mul3A_137 : i32
      %add3A_139 = arith.constant 16 : i32
      %add3A_140 = arith.addi %mul3A_138, %add3A_139 : i32
      %get3A_141 = arith.index_cast %add3A_140 : i32 to index
      %get3A_142 = tpu.vector_load %arg7[%get3A_141] {strides = array<i32>} : memref<512xi32, #tpu.memory_space<vmem>>, vector<16xi32>,
      %gather3A_143 = tpu.vector_load_idx %arg6[%add3A_130, %get3A_142] : memref<32x1001xf32, #tpu.memory_space<vmem>>[vector<16xi32>, vector<16xi32>], vector<16xf32>,
      %mul3A_144 = arith.constant 1.000000e-03 : f32
      %mul3A_145 = vector.broadcast %mul3A_144 : f32 to vector<16xf32>
      %mul3A_146 = arith.mulf %scan3A_135, %mul3A_145 : vector<16xf32>
      %sub3A_147 = arith.subf %gather3A_143, %mul3A_146 : vector<16xf32>
      %swap3A_148 = arith.index_cast %add3A_140 : i32 to index
      %swap3A_149 = tpu.vector_load %arg8[%swap3A_148] {strides = array<i32>} : memref<512xf32, #tpu.memory_space<vmem>>, vector<16xf32>,
      tpu.vector_store %arg8[%swap3A_148], %sub3A_147 {strides = array<i32>} : memref<512xf32, #tpu.memory_space<vmem>>, vector<16xf32>,
      %add3A_150 = arith.constant 2 : i32
      %add3A_151 = arith.addi %add3A_95, %add3A_150 : i32
      %lt3A_152 = arith.constant 16 : i32
      %lt3A_153 = arith.cmpi slt, %add3A_151, %lt3A_152 : i32
      %convert_element_type3A_154 = arith.extui %lt3A_153 : i1 to i32
      %cond3A_155 = arith.constant 0 : i32
      %cond3A_156 = arith.cmpi ne, %convert_element_type3A_154, %cond3A_155 : i32
      scf.if %cond3A_156 {
        %add3A_157 = arith.constant 2 : i32
        %add3A_158 = arith.addi %add3A_95, %add3A_157 : i32
        %mul3A_159 = arith.constant 32 : i32
        %mul3A_160 = arith.muli %add3A_158, %mul3A_159 : i32
        %add3A_161 = arith.addi %mul3A_2, %mul3A_160 : i32
        %dma_start3A_162 = arith.constant 1 : i32
        %dma_start3A_163 = arith.constant 0 : i32
        %dma_start3A_164 = tpu.memref_slice %arg2[%add3A_161, %dma_start3A_163] : memref<16384x1001xf32, #tpu.memory_space<hbm>> -> memref<32x1001xf32, #tpu.memory_space<hbm>>
        %dma_start3A_165 = tpu.memref_slice %arg9[%dma_start3A_162] : memref<2x!tpu.dma_semaphore, #tpu.memory_space<semaphore_mem>> -> memref<1x!tpu.dma_semaphore, #tpu.memory_space<semaphore_mem>>
        %dma_start3A_166 = tpu.memref_squeeze %dma_start3A_165 : memref<1x!tpu.dma_semaphore, #tpu.memory_space<semaphore_mem>> -> memref<!tpu.dma_semaphore, #tpu.memory_space<semaphore_mem>>
        %dma_start3A_167 = arith.constant 0 : i32
        %dma_start3A_168 = tpu.memref_slice %arg2[%add3A_161, %dma_start3A_167] : memref<16384x1001xf32, #tpu.memory_space<hbm>> -> memref<32x1001xf32, #tpu.memory_space<hbm>>
        tpu.enqueue_dma source(%dma_start3A_168 : memref<32x1001xf32, #tpu.memory_space<hbm>>) target(%arg6 : memref<32x1001xf32, #tpu.memory_space<vmem>>) target_semaphore(%dma_start3A_166 : memref<!tpu.dma_semaphore, #tpu.memory_space<semaphore_mem>>)
      } else {
      }
    }
    %scan3A_31 = arith.constant 8 : i32
    "tpu.region"() ({
      %run_scoped3A = tpu.sem_alloc : memref<!tpu.dma_semaphore, #tpu.memory_space<semaphore_mem>>
      %dma_start3A_32 = tpu.memref_slice %arg4[%mul3A_2] : memref<16384xf32, #tpu.memory_space<hbm>> -> memref<512xf32, #tpu.memory_space<hbm>>
      %dma_start3A_33 = tpu.memref_slice %arg4[%mul3A_2] : memref<16384xf32, #tpu.memory_space<hbm>> -> memref<512xf32, #tpu.memory_space<hbm>>
      tpu.enqueue_dma source(%arg8 : memref<512xf32, #tpu.memory_space<vmem>>) target(%dma_start3A_33 : memref<512xf32, #tpu.memory_space<hbm>>) target_semaphore(%run_scoped3A : memref<!tpu.dma_semaphore, #tpu.memory_space<semaphore_mem>>)
      %dma_wait3A_34 = tpu.memref_slice %arg4[%mul3A_2] : memref<16384xf32, #tpu.memory_space<hbm>> -> memref<512xf32, #tpu.memory_space<hbm>>
      %dma_wait3A_35 = tpu.memref_slice %arg4[%mul3A_2] : memref<16384xf32, #tpu.memory_space<hbm>> -> memref<512xf32, #tpu.memory_space<hbm>>
      tpu.wait_dma2 semaphore(%run_scoped3A : memref<!tpu.dma_semaphore, #tpu.memory_space<semaphore_mem>>) src(%arg8 : memref<512xf32, #tpu.memory_space<vmem>>) dst(%dma_wait3A_35 : memref<512xf32, #tpu.memory_space<hbm>>)
      tpu.yield
    }) : () -> ()
    return
  }
}

</mosaic_0001>

<sc_bundles>
// kernel: kernel.3.cloned.1.call-start
scs
__scs_entry_jumppad:
0x0: {  	(pc) =	sbr.rel $0x88, $3  }
0x1: {  	(tag) =	ssettag $0x0;
	lr =	simm.s32 $0x1  }
0x2: {  	[smem:$0x3F9F] =	sst lr;
	_ =	strace $0xD0000000  }
0x3: {  	_ = 	snop  }
0x4: {  	_ = 	snop  }
0x5: {  	_ = 	snop  }
0x6: {  	_ = 	snop  }
0x7: {  	_ = 	snop  }
__scs_overlays_trampoline_lowered:
0x8: {  	[smem:$0x3FAE] =	sst s0  }
0x9: {  	[smem:$0x3FAF] =	sst s1  }
0xa: {  	[smem:$0x3FB0] =	sst s2  }
0xb: {  	[smem:$0x3FB1] =	sst s3  }
0xc: {  	[smem:$0x3FB2] =	sst s4  }
0xd: {  	[smem:$0x3FB3] =	sst s5  }
0xe: {  	[smem:$0x3FB4] =	sst s6  }
0xf: {  	[smem:$0x3FB5] =	sst s7  }
0x10: {  	[smem:$0x3FB6] =	sst s8  }
0x11: {  	[smem:$0x3FB7] =	sst s9;
	s0 =	simm.s32 @!p0 $0x0  }
0x12: {  	s1 =	sld [smem:$0x3F9D];
	s0 =	simm.s32 @p0 $0x1  }
0x13: {  	[smem:$0x3FB8] =	sst s0;
	s0 =	simm.s32 @!p1 $0x0  }
0x14: {  	s2 =	sld [smem:$0x3F9C];
	s0 =	simm.s32 @p1 $0x1  }
0x15: {  	[smem:$0x3FB9] =	sst s0;
	s0 =	simm.s32 @!p2 $0x0  }
0x16: {  	s3 =	sld [smem:$0x3FDB];
	s0 =	simm.s32 @p2 $0x1  }
0x17: {  	s4 =	simm.s32 $0x1BF5;
	[smem:$0x3FBB] =	sst s0  }
0x18: {  	s0 =	sld [smem:$0x3F9E];
	_ =	swait.ge [sflag:s4], $0x0  }
0x19: {  	s7 =	sld [smem:$0x3F9F]  }
0x1a: {  	s8 =	sadd.s32 $0xFFFFE003, lr  }
0x1b: {  	s9 =	sadd.s32 $0xFFFFFEF7, lr;
	s5 =	simm.s32 $0xFFFFFFFF;
	p2 =	slt.u32 s8, $0xFFFFF086  }
0x1c: {  	p1 =	slt.u32 s9, $0xF7A;
	s5 =	simm.s32 @!p2 $0x0  }
0x1d: {  	s5 =	simm.s32 @p1 $0x1;
	p0 =	seq.s32 s7, s2  }
0x1e: {  	s7 =	smul.u32 @!p0 $0xF7A, s2;
	p2 =	seq.s32 @!p0 s5, $0x0  }
0x1f: {  	s9 =	smul.u32 $0xF7A, s1;
	s8 =	simm.s32 @!p0 $0x1BF5;
	p2 =	por !p2, p0  }
0x20: {  	[sflag:s8] =	ssyncset.s32 @!p0 $0xFFFFF086;
	s6 =	sadd.s32 @!p0 s3, s7;
	s7 =	simm.s32 @!p0 $0x108  }
0x21: {  	s3 =	sadd.s32 s3, s9;
	s6 =	sadd.s32 @!p0 $0x88, s6;
	s7 =	simm.s32 @p2 $0x1082  }
0x22: {  	[simem:s7], [sflag:s8] =	dma.local @!p0 [hbm:s6], $0xF7A  }
0x23: {  	s9 =	sor.u32 $0xD0000000, s2;
	s6 =	simm.s32 $0x108;
	_ =	swait.ge @!p0 [sflag:s8], $0x0  }
0x24: {  	s3 =	sadd.s32 $0x88, s3;
	s6 =	simm.s32 @!p1 $0x1082;
	[sflag:s4] =	ssyncset.s32 $0xFFFFF086  }
0x25: {  	[simem:s6], [sflag:s4] =	dma.local [hbm:s3], $0xF7A  }
0x26: {  	[smem:$0x3F9F] =	sst s1;
	(tag) =	ssettag s2;
	_ =	strace s9  }
0x27: {  	s1 =	sld [smem:$0x3FAF]  }
0x28: {  	s2 =	sld [smem:$0x3FB0]  }
0x29: {  	s4 =	sld [smem:$0x3FB2]  }
0x2a: {  	p0 =	seq.s32 s5, $0x0;
	s5 =	sld [smem:$0x3FB3]  }
0x2b: {  	s6 =	sld [smem:$0x3FB4]  }
0x2c: {  	s7 =	sld [smem:$0x3FB5]  }
0x2d: {  	s3 =	simm.s32 $0x108;
	s8 =	sld [smem:$0x3FB6]  }
0x2e: {  	s3 =	simm.s32 @!p0 $0x1082;
	s9 =	sld [smem:$0x3FB7]  }
0x2f: {  	lr =	sadd.s32 s0, s3;
	s0 =	sld [smem:$0x3FAE]  }
0x30: {  	s3 =	sld [smem:$0x3FB1]  }
0x31: {  	[smem:$0x3FBA] =	sst s10  }
0x32: {  	s10 =	sld [smem:$0x3FB8];
	_ =	sdelay $0x3  }
0x33: {  	p0 =	seq.s32 s10, $0x1;
	s10 =	sld [smem:$0x3FBA];
	_ =	sdelay $0x3  }
0x34: {  	[smem:$0x3FBA] =	sst s10  }
0x35: {  	s10 =	sld [smem:$0x3FB9];
	_ =	sdelay $0x3  }
0x36: {  	p1 =	seq.s32 s10, $0x1;
	s10 =	sld [smem:$0x3FBA];
	_ =	sdelay $0x3  }
0x37: {  	[smem:$0x3FBA] =	sst s10  }
0x38: {  	s10 =	sld [smem:$0x3FBB]  }
0x39: {  	_ = 	snop;
	(pc) =	sbr.ind lr, $3  }
0x3a: {  	_ = 	snop  }
0x3b: {  	_ = 	snop  }
0x3c: {  	p2 =	seq.s32 s10, $0x1;
	s10 =	sld [smem:$0x3FBA]  }
0x3d: {  	_ =	shalt  }
0x3e: {  	_ =	shalt  }
0x3f: {  	_ =	shalt  }
0x40: {  	_ =	shalt  }
0x41: {  	_ =	shalt  }
0x42: {  	_ =	shalt  }
0x43: {  	_ =	shalt  }
0x44: {  	_ =	shalt  }
0x45: {  	_ =	shalt  }
0x46: {  	_ =	shalt  }
0x47: {  	_ =	shalt  }
0x48: {  	_ =	shalt  }
0x49: {  	_ =	shalt  }
0x4a: {  	_ =	shalt  }
0x4b: {  	_ =	shalt  }
0x4c: {  	_ =	shalt  }
0x4d: {  	_ =	shalt  }
0x4e: {  	_ =	shalt  }
0x4f: {  	_ =	shalt  }
0x50: {  	_ =	shalt  }
0x51: {  	_ =	shalt  }
0x52: {  	_ =	shalt  }
0x53: {  	_ =	shalt  }
0x54: {  	_ =	shalt  }
0x55: {  	_ =	shalt  }
0x56: {  	_ =	shalt  }
0x57: {  	_ =	shalt  }
0x58: {  	_ =	shalt  }
0x59: {  	_ =	shalt  }
0x5a: {  	_ =	shalt  }
0x5b: {  	_ =	shalt  }
0x5c: {  	_ =	shalt  }
0x5d: {  	_ =	shalt  }
0x5e: {  	_ =	shalt  }
0x5f: {  	_ =	shalt  }
0x60: {  	_ =	shalt  }
0x61: {  	_ =	shalt  }
0x62: {  	_ =	shalt  }
0x63: {  	_ =	shalt  }
0x64: {  	_ =	shalt  }
0x65: {  	_ =	shalt  }
0x66: {  	_ =	shalt  }
0x67: {  	_ =	shalt  }
0x68: {  	_ =	shalt  }
0x69: {  	_ =	shalt  }
0x6a: {  	_ =	shalt  }
0x6b: {  	_ =	shalt  }
0x6c: {  	_ =	shalt  }
0x6d: {  	_ =	shalt  }
0x6e: {  	_ =	shalt  }
0x6f: {  	_ =	shalt  }
0x70: {  	_ =	shalt  }
0x71: {  	_ =	shalt  }
0x72: {  	_ =	shalt  }
0x73: {  	_ =	shalt  }
0x74: {  	_ =	shalt  }
0x75: {  	_ =	shalt  }
0x76: {  	_ =	shalt  }
0x77: {  	_ =	shalt  }
0x78: {  	_ =	shalt  }
0x79: {  	_ =	shalt  }
0x7a: {  	_ =	shalt  }
0x7b: {  	_ =	shalt  }
0x7c: {  	_ =	shalt  }
0x7d: {  	_ =	shalt  }
0x7e: {  	_ =	shalt  }
0x7f: {  	_ =	shalt  }
0x80: {  	_ =	shalt  }
0x81: {  	_ =	shalt  }
0x82: {  	_ =	shalt  }
0x83: {  	_ =	shalt  }
0x84: {  	_ =	shalt  }
0x85: {  	_ =	shalt  }
0x86: {  	_ =	shalt  }
0x87: {  	_ =	shalt  }
.Lfunc_end0:
.L_simem_size_0:
called_computation_lowered:
.L_overlay_start_0:
0x88: {  	s2 =	sld [smem:$0x3FD9]  }
0x89: {  	s3 =	sld [smem:$0x3FFE];
	_ =	sdelay $0x1  }
0x8a: {  	s1 =	srdreg.scid  }
0x8b: {  	s0 =	sand.u32 $0x1, s1  }
0x8c: {  	s17 =	sshll.u32 s0, $0xA;
	s2 =	sadd.s32 s3, s2  }
0x8d: {  	s2 =	sadd.s32 s2, s17  }
0x8e: {  	[smem:$0x3FC6] =	sst s2  }
0x8f: {  	_ = 	snop  }
0x90: {  	s2 =	sld [smem:$0x3FC8]  }
0x91: {  	s18 =	sld [smem:$0x3FD0];
	(tm) =	ssettm $0x1  }
0x92: {  	s4 =	sld [smem:$0x3FFB];
	_ =	sdelay $0x3  }
0x93: {  	_ =	strace s4  }
0x94: {  	s4 =	sld [smem:$0x3FFC];
	_ =	sdelay $0x3  }
0x95: {  	_ =	strace s4  }
0x96: {  	s4 =	sld [smem:$0x3FFD];
	_ =	sdelay $0x3  }
0x97: {  	_ =	strace s4  }
0x98: {  	_ =	strace $0x8FFFFFFF  }
0x99: {  	s19 =	sld [smem:$0x3FDB];
	_ =	sdelay $0x1  }
0x9a: {  	s5 =	simm.s32 $_scs_section_size  }
0x9b: {  	s6 =	simm.s32 $_size__tile_overlayer_lowered;
	s7 =	simm.s32 $_tile_overlayer_lowered  }
0x9c: {  	s22 =	simm.s32 $0x1BFF;
	s21 =	sshll.u32 s7, $0x1;
	s4 =	sadd.s32 s5, s19  }
0x9d: {  	s8 =	simm.s32 $0x0;
	s20 =	sshll.u32 s6, $0x1;
	s6 =	sadd.s32 s21, s4  }
0x9e: {  	[timem:s8], [sflag:s22] =	dma.local [hbm:s6], s20  }
0x9f: {  	_ =	swait.ge [sflag:s22], s20  }
0xa0: {  	s5 =	ssub.s32 $0x0, s20;
	[sflag:s22] =	ssyncset.done $0x0  }
0xa1: {  	[sflag:s22] =	ssyncadd.s32 s5;
	_ =	sdelay $0x1  }
0xa2: {  	s23 =	simm.s32 $0x1B8B  }
0xa3: {  	_ =	swait.ge [sflag:s23], $0x1  }
0xa4: {  	[sflag:s23] =	ssyncset.done $0x0  }
0xa5: {  	s25 =	simm.s32 $0x1B8E;
	s24 =	sld [smem:$0x3FFE];
	[sflag:s23] =	ssyncadd.s32 $0xFFFFFFFF  }
0xa6: {  	s26 =	simm.s32 $execute0_lowered;
	[smem:$0x3FD2] =	sst s25  }
0xa7: {  	s6 =	sshll.u32 s26, $0x1;
	_ =	strace $0x80000046;
	[dreg:$0x1] =	wrdreg $0xFFFFFFFF  }
0xa8: {  	s28 =	simm.s32 $_size_execute0_lowered;
	s4 =	sadd.s32 s4, s6;
	[dreg:$0x0] =	wrdreg $0x0  }
0xa9: {  	s6 =	sshll.u32 s28, $0x1;
	[dreg:$0x2] =	wrdreg s4  }
0xaa: {  	[dreg:$0x3] =	wrdreg s6  }
0xab: {  	[dreg:$0x4] =	wrdreg $0xC0  }
0xac: {  	_ =	task [dreg:s8], $0x5FFFF  }
0xad: {  	[dreg:$0x1] =	wrdreg $0xFFFFFFFF  }
0xae: {  	[dreg:$0x0] =	wrdreg $0x60  }
0xaf: {  	[dreg:$0x2] =	wrdreg s24  }
0xb0: {  	[dreg:$0x3] =	wrdreg s2  }
0xb1: {  	[dreg:$0x4] =	wrdreg s18  }
0xb2: {  	[dreg:$0x5] =	wrdreg $0x9  }
0xb3: {  	_ =	task.clear_ibuf [dreg:s8], $0x6FFFF;
	_ =	strace $0x90000046  }
0xb4: {  	s29 =	simm.s32 $0x9;
	_ =	strace $0x80000048  }
0xb5: {  	_ =	swait.ge [sflag:s29], $0x1  }
0xb6: {  	[sflag:s29] =	ssyncadd.s32 $0xFFFFFFFF  }
0xb7: {  	_ =	strace $0x90000048  }
0xb8: {  	_ =	sfence  }
0xb9: {  	s30 =	sld [smem:$0x0];
	_ =	sdelay $0x2  }
0xba: {  	s31 =	sshll.u32 s1, $0xD;
	s1 =	sshrl.u32 s1, $0x2  }
0xbb: {  	s3 =	sand.u32 $0x4000, s31;
	s1 =	sadd.s32 s1, s30  }
0xbc: {  	s0 =	sor.u32 s3, s0;
	s1 =	sshll.u32 s1, $0x11  }
0xbd: {  	s0 =	sor.u32 s1, s0  }
0xbe: {  	s0 =	sadd.s32 $0x8F2B, s0  }
0xbf: {  	[sflag:s0] =	ssyncadd.remote.s32 $0x1  }
0xc0: {  	_ =	sfence.sel $0xFFFF  }
0xc1: {  	[dreg:$0x0] =	wrdreg $0xFFFFFFFF;
	(pc) =	sbr.abs _section_cstart, $3  }
0xc2: {  	[dreg:$0x1] =	wrdreg $0xFFFFFFFF  }
0xc3: {  	_ =	task.clear_ibuf [dreg:s8], $0x2FFFF;
	_ =	strace $0x9FFFFFFF  }
0xc4: {  	(tm) =	ssettm $0x7FFFFFFF  }
0xc5: {  	_ =	shalt  }
tec
execute0_lowered:
.L_overlay_start_1:
0x0: {  	(tag) =	ssettag $0x1  }
0x1: {  	v0 =	vimm.f32 $1.000000000e+00  }
0x2: {  	vm0 =	vcmask $0x1F00;
	v1 =	vlaneseq.u32;
	v2 =	vimm.s32 $0x2380  }
0x3: {  	vm14 =	vcmask $0x300;
	v3 =	vimm.s32 $0x6380;
	vm1 =	vcmask $0x704  }
0x4: {  	vm15 =	vcmask $0xB08;
	v2 =	vsel vm14, $0x0, v2;
	v3 =	vsel vm14, $0x4000, v3  }
0x5: {  	s3 =	rddreg [dreg:$0x0];
	vm4 =	vcmask $0xF0C;
	v2 =	vsel vm1, $0x80, v2;
	v3 =	vsel vm1, $0x4080, v3  }
0x6: {  	s4 =	rddreg [dreg:$0x1];
	vm5 =	vcmask $0x1310;
	v2 =	vsel vm15, $0x100, v2;
	v3 =	vsel vm15, $0x4100, v3  }
0x7: {  	s8 =	rddreg [dreg:$0x2];
	vm6 =	vcmask $0x1714;
	v2 =	vsel vm4, $0x180, v2;
	v3 =	vsel vm4, $0x4180, v3  }
0x8: {  	s2 =	srdreg.scid;
	s0 =	rddreg [dreg:$0x3];
	vm7 =	vcmask $0x1B18;
	v2 =	vsel vm5, $0x200, v2;
	v3 =	vsel vm5, $0x4200, v3  }
0x9: {  	s1 =	stileid.u32;
	vm8 =	vcmask $0x1F1C;
	s11 =	simm.s32 $0x3;
	s12 =	simm.s32 $0x8000;
	v2 =	vsel vm6, $0x280, v2;
	v3 =	vsel vm6, $0x4280, v3  }
0xa: {  	vm9 =	vcmask $0x2320;
	s13 =	simm.s32 $0x1;
	s14 =	simm.s32 $0x2;
	s15 =	simm.s32 $0x10200;
	v2 =	vsel vm7, $0x300, v2;
	v3 =	vsel vm7, $0x4300, v3  }
0xb: {  	vm10 =	vcmask $0x2724;
	s16 =	simm.s32 $0x4;
	s17 =	simm.s32 $0x0;
	s5 =	sand.u32 $0x1, s2;
	v2 =	vsel vm8, $0x380, v2;
	v3 =	vsel vm8, $0x4380, v3  }
0xc: {  	vm11 =	vcmask $0x2B28;
	s2 =	simm.s32 $0x0;
	s6 =	sshll.u32 s1, $0xA;
	s7 =	sshll.u32 s5, $0x9;
	v2 =	vsel vm9, $0x2000, v2;
	v3 =	vsel vm9, $0x6000, v3  }
0xd: {  	vm12 =	vcmask $0x2F2C;
	[smem:$0x7FF] =	sst s2;
	s5 =	ssub.s32 $0x2, s5;
	s6 =	sor.u32 s7, s6;
	v2 =	vsel vm10, $0x2080, v2;
	v3 =	vsel vm10, $0x6080, v3  }
.Ltmp0:
0xe: {  	vm13 =	vcmask $0x3330;
	_ =	strace $0x80000047;
	s9 =	sshrl.u32 s5, $0x1;
	v2 =	vsel vm11, $0x2100, v2;
	v3 =	vsel vm11, $0x6100, v3;
	(pc) =	sbr.rel .LBB2_1-.Ltmp0, $4  }
0xf: {  	v0 =	vsel vm0, $0x0, v0;
	s7 =	sshll.u32 s6, $0x7;
	s9 =	ssub.s32 s5, s9;
	s10 =	sshrl.u32 s6, $0x3;
	v2 =	vsel vm12, $0x2180, v2;
	v3 =	vsel vm12, $0x6180, v3  }
0x10: {  	vm14 =	vcmask $0x3734;
	s7 =	sadd.s32 s7, s3;
	s3 =	sadd.s32 s4, s10;
	s8 =	sadd.s32 s8, s10;
	v2 =	vsel vm13, $0x2200, v2;
	v3 =	vsel vm13, $0x6200, v3  }
0x11: {  	vm15 =	vcmask $0x3B38;
	s9 =	smax.u32 s9, $0x1;
	s10 =	simm.s32 $0x10000;
	s4 =	sadd.s32 $0x800, s7;
	v4 =	vsel vm14, $0x2280, v2;
	v5 =	vsel vm14, $0x6280, v3  }
0x12: {  	s5 =	sadd.s32 $0x1800, s7;
	s6 =	sadd.s32 $0x2800, s7;
	s7 =	sadd.s32 $0x3800, s7;
	v2 =	vimm.s32 $0x0;
	v3 =	vsel vm15, $0x2300, v4;
	v4 =	vsel vm15, $0x6300, v5  }
.LBB2_12:
0x13: {  	s17 =	sadd.s32 $0x1, s17  }
0x14: {  	p0 =	sne.s32 s17, s9  }
.Ltmp1:
0x15: {  	_ = 	snop;
	(pc) =	sbr.rel @!p0 .LBB2_13-.Ltmp1, $4  }
0x16: {  	[hbm4b:s8+s2] =	stream.linear.scatter [tilespmem:s15], [sflag:$0x4], $0x200, $0x38;
	[tilespmem:$0x10400] =	vst v63  }
0x17: {  	_ =	swait.ge [sflag:s16], $0x200  }
0x18: {  	[sflag:s16] =	ssyncset.done $0x0  }
0x19: {  	[sflag:s16] =	ssyncadd.s32 $0xFFFFFE00  }
.LBB2_1:
0x1a: {  	[tilespmem:s10], [sflag:$0x3] =	stream.linear.gather [hbm4b:s3+s2], $0x200, $0x38;
	[tilespmem:$0x10400] =	vst v63  }
0x1b: {  	_ =	swait.ge [sflag:s11], $0x200  }
0x1c: {  	[sflag:s11] =	ssyncset.done $0x0  }
0x1d: {  	[sflag:s11] =	ssyncadd.s32 $0xFFFFFE00  }
0x1e: {  	[tilespmem:s2], [sflag:$0x1] =	stream.linear.gather [hbm4b:s4+s2], $0x8000, $0x38;
	[tilespmem:$0x10400] =	vst v63  }
0x1f: {  	s18 =	simm.s32 $0x0  }
0x20: {  	[tilespmem:s12], [sflag:$0x2] =	stream.linear.gather [hbm4b:s5+s2], $0x8000, $0x38;
	[tilespmem:$0x10400] =	vst v63  }
.LBB2_2:
0x21: {  	_ =	swait.ge [sflag:s13], $0x8000;
	s19 =	simm.s32 $0x0  }
0x22: {  	[sflag:s13] =	ssyncset.done $0x0;
	s20 =	sand.u32 $0x2000, s19;
	s21 =	sand.u32 $0x380, s19  }
0x23: {  	[sflag:s13] =	ssyncadd.s32 $0xFFFF8000;
	s20 =	sor.u32 s21, s20  }
0x24: {  	v8 =	vld [tilespmem:s20+$0x1860]  }
0x25: {  	v9 =	vld [tilespmem:s20+$0x1870]  }
0x26: {  	v7 =	vld [tilespmem:s20+$0x1820]  }
0x27: {  	v10 =	vld [tilespmem:s20+$0x1830]  }
0x28: {  	v11 =	vld [tilespmem:s20+$0x1840]  }
0x29: {  	v12 =	vld [tilespmem:s20+$0x1850]  }
0x2a: {  	v5 =	vld [tilespmem:s20+$0x1460]  }
0x2b: {  	v6 =	vld [tilespmem:s20+$0x1470]  }
0x2c: {  	v13 =	vld [tilespmem:s20+$0x1420]  }
0x2d: {  	v14 =	vld [tilespmem:s20+$0x1430]  }
0x2e: {  	v15 =	vld [tilespmem:s20+$0x1060]  }
0x2f: {  	v16 =	vld [tilespmem:s20+$0x1070]  }
0x30: {  	v17 =	vld [tilespmem:s20+$0x1020]  }
0x31: {  	v18 =	vld [tilespmem:s20+$0x1030]  }
0x32: {  	v19 =	vld [tilespmem:s20+$0xC60]  }
0x33: {  	v20 =	vld [tilespmem:s20+$0xC70]  }
0x34: {  	v21 =	vld [tilespmem:s20+$0xC20]  }
0x35: {  	v22 =	vld [tilespmem:s20+$0xC30]  }
0x36: {  	v23 =	vld [tilespmem:s20+$0x860]  }
0x37: {  	v24 =	vld [tilespmem:s20+$0x870]  }
0x38: {  	v25 =	vld [tilespmem:s20+$0x820]  }
0x39: {  	v26 =	vld [tilespmem:s20+$0x830]  }
0x3a: {  	v27 =	vld [tilespmem:s20+$0x460]  }
0x3b: {  	v28 =	vld [tilespmem:s20+$0x470]  }
0x3c: {  	v29 =	vld [tilespmem:s20+$0x420]  }
0x3d: {  	v30 =	vld [tilespmem:s20+$0x430]  }
0x3e: {  	v31 =	vld [tilespmem:s20+$0x60]  }
0x3f: {  	v32 =	vld [tilespmem:s20+$0x70]  }
0x40: {  	v33 =	vld [tilespmem:s20+$0x20]  }
0x41: {  	v34 =	vld [tilespmem:s20+$0x30]  }
0x42: {  	v35 =	vld [tilespmem:s20+$0x0]  }
0x43: {  	v36 =	vld [tilespmem:s20+$0x10]  }
0x44: {  	v37 =	vld [tilespmem:s20+$0x40]  }
0x45: {  	v38 =	vld [tilespmem:s20+$0x50]  }
0x46: {  	v39 =	vld [tilespmem:s20+$0x400]  }
0x47: {  	v40 =	vld [tilespmem:s20+$0x410]  }
0x48: {  	v41 =	vld [tilespmem:s20+$0x440]  }
0x49: {  	v42 =	vld [tilespmem:s20+$0x450]  }
0x4a: {  	v43 =	vld [tilespmem:s20+$0x800]  }
0x4b: {  	v44 =	vld [tilespmem:s20+$0x810];
	v35 =	vadd.f32 $0.0e+00, v35;
	v36 =	vadd.f32 $0.0e+00, v36  }
0x4c: {  	v45 =	vld [tilespmem:s20+$0x840];
	v33 =	vadd.f32 $0.0e+00, v33;
	v34 =	vadd.f32 $0.0e+00, v34  }
0x4d: {  	v51 =	vld [tilespmem:s20+$0x850];
	v35 =	vadd.f32 v37, v35;
	v36 =	vadd.f32 v38, v36  }
0x4e: {  	v52 =	vld [tilespmem:s20+$0xC00];
	v31 =	vadd.f32 v31, v33;
	v32 =	vadd.f32 v32, v34  }
0x4f: {  	v55 =	vld [tilespmem:s20+$0xC10];
	v53 =	vadd.f32 v39, v35;
	v54 =	vadd.f32 v40, v36  }
0x50: {  	v58 =	vld [tilespmem:s20+$0xC50];
	v29 =	vadd.f32 v29, v31;
	v30 =	vadd.f32 v30, v32  }
0x51: {  	v60 =	vld [tilespmem:s20+$0x1010];
	v56 =	vadd.f32 v41, v53;
	v57 =	vadd.f32 v42, v54  }
0x52: {  	v61 =	vld [tilespmem:s20+$0x1050];
	v27 =	vadd.f32 v27, v29;
	v28 =	vadd.f32 v28, v30  }
0x53: {  	v31 =	vld [tilespmem:s20+$0xC40];
	v30 =	vadd.f32 v43, v56;
	v59 =	vadd.f32 v44, v57  }
0x54: {  	v29 =	vld [tilespmem:s20+$0x1000];
	v25 =	vadd.f32 v25, v27;
	v26 =	vadd.f32 v26, v28  }
0x55: {  	v27 =	vld [tilespmem:s20+$0x1040];
	v28 =	vadd.f32 v45, v30;
	v30 =	vadd.f32 v51, v59  }
0x56: {  	v23 =	vadd.f32 v23, v25;
	v24 =	vadd.f32 v24, v26;
	v25 =	vld [tilespmem:s20+$0x1400]  }
0x57: {  	v26 =	vadd.f32 v52, v28;
	v28 =	vadd.f32 v55, v30;
	v30 =	vld [tilespmem:s20+$0x1410]  }
0x58: {  	s26 =	sand.u32 $0x7, s19;
	v21 =	vadd.f32 v21, v23;
	v22 =	vadd.f32 v22, v24;
	v23 =	vld [tilespmem:s20+$0x1440]  }
0x59: {  	s21 =	sshll.u32 s26, $0x7;
	v24 =	vadd.f32 v31, v26;
	v26 =	vadd.f32 v58, v28;
	v28 =	vld [tilespmem:s20+$0x1450]  }
0x5a: {  	s21 =	sadd.s32 $0x0, s21;
	v19 =	vadd.f32 v19, v21;
	v20 =	vadd.f32 v20, v22;
	v21 =	vld [tilespmem:s20+$0x1800]  }
0x5b: {  	s28 =	sor.u32 $0x1C20, s21;
	v22 =	vadd.f32 v29, v24;
	v24 =	vadd.f32 v60, v26;
	v26 =	vld [tilespmem:s20+$0x1810]  }
0x5c: {  	s23 =	simm.s32 $0x80;
	s29 =	sor.u32 $0x1C30, s21;
	v17 =	vadd.f32 v17, v19;
	v18 =	vadd.f32 v18, v20;
	v19 =	vld [tilespmem:s28+$0x0];
	s20 =	simm.s32 $0x400  }
0x5d: {  	s25 =	sand.u32 $0x380, s23;
	s22 =	sor.u32 $0x1C00, s21;
	s24 =	sand.u32 $0x2000, s20;
	v20 =	vadd.f32 v27, v22;
	v22 =	vadd.f32 v61, v24;
	v24 =	vld [tilespmem:s29+$0x0]  }
0x5e: {  	v15 =	vadd.f32 v15, v17;
	v16 =	vadd.f32 v16, v18;
	v17 =	vld [tilespmem:s22+$0x0];
	s22 =	sor.u32 s25, s24  }
0x5f: {  	v27 =	vld [tilespmem:s22+$0x830];
	v18 =	vadd.f32 v25, v20;
	v20 =	vadd.f32 v30, v22  }
0x60: {  	v29 =	vld [tilespmem:s22+$0x470];
	v13 =	vadd.f32 v13, v15;
	v14 =	vadd.f32 v14, v16  }
0x61: {  	s30 =	sor.u32 $0x1C10, s21;
	v32 =	vld [tilespmem:s22+$0x60];
	v16 =	vadd.f32 v23, v18;
	v18 =	vadd.f32 v28, v20  }
0x62: {  	s31 =	sor.u32 $0x1C40, s21;
	v22 =	vld [tilespmem:s30+$0x0];
	v13 =	vadd.f32 v5, v13;
	v14 =	vadd.f32 v6, v14  }
0x63: {  	s26 =	sor.u32 $0x1C50, s21;
	v15 =	vld [tilespmem:s31+$0x0];
	v16 =	vadd.f32 v21, v16;
	v18 =	vadd.f32 v26, v18  }
0x64: {  	v20 =	vld [tilespmem:s26+$0x0];
	v13 =	vadd.f32 v7, v13;
	v10 =	vadd.f32 v10, v14  }
0x65: {  	v33 =	vld [tilespmem:s22+$0x70];
	v11 =	vadd.f32 v11, v16;
	v12 =	vadd.f32 v12, v18  }
0x66: {  	v34 =	vld [tilespmem:s22+$0x20];
	v8 =	vadd.f32 v8, v13;
	v13 =	vadd.f32 v9, v10  }
0x67: {  	s21 =	sor.u32 $0x1C58, s21;
	v35 =	vld [tilespmem:s22+$0x30];
	v14 =	vadd.f32 v17, v11;
	v12 =	vadd.f32 v22, v12  }
0x68: {  	v16 =	vld [tilespmem:s21+$0x0];
	v8 =	vadd.f32 v19, v8;
	v17 =	vadd.f32 v24, v13  }
0x69: {  	v25 =	vld [tilespmem:s22+$0x870];
	v14 =	vadd.f32 v15, v14;
	v15 =	vadd.f32 v20, v12  }
0x6a: {  	v30 =	vld [tilespmem:s22+$0x420]  }
0x6b: {  	v6 =	vld [tilespmem:s22+$0x1860];
	v8 =	vadd.f32 v17, v8;
	v18 =	vadd.f32 v15, v14  }
0x6c: {  	v5 =	vld [tilespmem:s22+$0x1870]  }
0x6d: {  	v23 =	vld [tilespmem:s22+$0xC30];
	v19 =	vmul.f32 v0, v16;
	v8 =	vadd.f32 v18, v8  }
0x6e: {  	v28 =	vld [tilespmem:s22+$0x460]  }
0x6f: {  	v7 =	vld [tilespmem:s22+$0x1820];
	v8 =	vadd.f32 v8, v19  }
0x70: {  	v21 =	vld [tilespmem:s22+$0xC70]  }
0x71: {  	v26 =	vld [tilespmem:s22+$0x820];
	(xrf2) =	vadd.scan.msk.f32 $0xffff, v8  }
0x72: {  	v9 =	vld [tilespmem:s22+$0x1830]  }
0x73: {  	v10 =	vld [tilespmem:s22+$0x1840]  }
0x74: {  	v11 =	vld [tilespmem:s22+$0x1850]  }
0x75: {  	v13 =	vld [tilespmem:s22+$0x1470]  }
0x76: {  	v22 =	vld [tilespmem:s22+$0xC20]  }
0x77: {  	v24 =	vld [tilespmem:s22+$0x860]  }
0x78: {  	v12 =	vld [tilespmem:s22+$0x1460]  }
0x79: {  	v17 =	vld [tilespmem:s22+$0x1070]  }
0x7a: {  	v20 =	vld [tilespmem:s22+$0xC60]  }
0x7b: {  	v16 =	vld [tilespmem:s22+$0x1060];
	v8 =	vmov s19;
	v31, _, _ =	vpop (xrf2)  }
0x7c: {  	v14 =	vld [tilespmem:s22+$0x1420];
	vm0 =	veq.s32 v8, v1;
	v8 =	vbroadcast v31, $0xF  }
0x7d: {  	v15 =	vld [tilespmem:s22+$0x1430];
	v62 =	vsel vm0, $0x3F800000, v2  }
0x7e: {  	v18 =	vld [tilespmem:s22+$0x1020];
	v8 =	vmul.f32 v62, v8  }
0x7f: {  	v63 =	vimm.f32 $0.0e+00;
	v19 =	vld [tilespmem:s22+$0x1030]  }
0x80: {  	s24 =	simm.s32 $0x2;
	s21 =	simm.s32 $0x1;
	v31 =	vld [tilespmem:s22+$0x430];
	v8 =	vadd.f32 v8, v63  }
.LBB2_3:
0x81: {  	p0 =	sne.s32 s24, $0xF;
	v36 =	vld [tilespmem:s22+$0x0]  }
0x82: {  	v37 =	vld [tilespmem:s22+$0x10]  }
0x83: {  	v38 =	vld [tilespmem:s22+$0x40]  }
0x84: {  	v39 =	vld [tilespmem:s22+$0x50]  }
0x85: {  	v40 =	vld [tilespmem:s22+$0x400]  }
0x86: {  	v41 =	vld [tilespmem:s22+$0x410]  }
0x87: {  	v36 =	vadd.f32 $0.0e+00, v36;
	v37 =	vadd.f32 $0.0e+00, v37;
	v42 =	vld [tilespmem:s22+$0x440]  }
0x88: {  	v34 =	vadd.f32 $0.0e+00, v34;
	v35 =	vadd.f32 $0.0e+00, v35;
	v43 =	vld [tilespmem:s22+$0x450]  }
0x89: {  	v36 =	vadd.f32 v38, v36;
	v37 =	vadd.f32 v39, v37;
	v38 =	vld [tilespmem:s22+$0x800]  }
0x8a: {  	v32 =	vadd.f32 v32, v34;
	v33 =	vadd.f32 v33, v35;
	v34 =	vld [tilespmem:s22+$0x810]  }
0x8b: {  	v35 =	vadd.f32 v40, v36;
	v36 =	vadd.f32 v41, v37;
	v37 =	vld [tilespmem:s22+$0x840]  }
0x8c: {  	v30 =	vadd.f32 v30, v32;
	v31 =	vadd.f32 v31, v33;
	v32 =	vld [tilespmem:s22+$0x850]  }
0x8d: {  	v33 =	vadd.f32 v42, v35;
	v35 =	vadd.f32 v43, v36;
	v36 =	vld [tilespmem:s22+$0xC00]  }
0x8e: {  	v28 =	vadd.f32 v28, v30;
	v29 =	vadd.f32 v29, v31;
	v30 =	vld [tilespmem:s22+$0xC10]  }
0x8f: {  	v31 =	vadd.f32 v38, v33;
	v33 =	vadd.f32 v34, v35;
	v34 =	vld [tilespmem:s22+$0xC40]  }
0x90: {  	v26 =	vadd.f32 v26, v28;
	v27 =	vadd.f32 v27, v29;
	v28 =	vld [tilespmem:s22+$0xC50]  }
0x91: {  	v29 =	vadd.f32 v37, v31;
	v31 =	vadd.f32 v32, v33;
	v32 =	vld [tilespmem:s22+$0x1000]  }
0x92: {  	v24 =	vadd.f32 v24, v26;
	v25 =	vadd.f32 v25, v27;
	v26 =	vld [tilespmem:s22+$0x1010]  }
0x93: {  	v27 =	vadd.f32 v36, v29;
	v29 =	vadd.f32 v30, v31;
	v30 =	vld [tilespmem:s22+$0x1040]  }
0x94: {  	v22 =	vadd.f32 v22, v24;
	v23 =	vadd.f32 v23, v25;
	v24 =	vld [tilespmem:s22+$0x1050]  }
0x95: {  	v25 =	vadd.f32 v34, v27;
	v27 =	vadd.f32 v28, v29;
	v28 =	vld [tilespmem:s22+$0x1400]  }
0x96: {  	s19 =	sadd.s32 $0x1, s19;
	v20 =	vadd.f32 v20, v22;
	v21 =	vadd.f32 v21, v23;
	v22 =	vld [tilespmem:s22+$0x1410]  }
0x97: {  	s25 =	sand.u32 $0x7, s19;
	v23 =	vadd.f32 v32, v25;
	v25 =	vadd.f32 v26, v27;
	v26 =	vld [tilespmem:s22+$0x1440]  }
0x98: {  	s25 =	sshll.u32 s25, $0x7;
	v18 =	vadd.f32 v18, v20;
	v19 =	vadd.f32 v19, v21;
	v20 =	vld [tilespmem:s22+$0x1450]  }
0x99: {  	s25 =	sadd.s32 s25, s20;
	v21 =	vadd.f32 v30, v23;
	v23 =	vadd.f32 v24, v25;
	v24 =	vld [tilespmem:s22+$0x1800]  }
0x9a: {  	v16 =	vadd.f32 v16, v18;
	v17 =	vadd.f32 v17, v19;
	v18 =	vld [tilespmem:s22+$0x1810];
	s22 =	sor.u32 $0x1C20, s25  }
0x9b: {  	v19 =	vadd.f32 v28, v21;
	v21 =	vadd.f32 v22, v23;
	v22 =	vld [tilespmem:s22+$0x0];
	s22 =	sor.u32 $0x1C30, s25  }
0x9c: {  	s26 =	sor.u32 $0x1C00, s25;
	v14 =	vadd.f32 v14, v16;
	v15 =	vadd.f32 v15, v17;
	v16 =	vld [tilespmem:s22+$0x0]  }
0x9d: {  	v17 =	vadd.f32 v26, v19;
	s22 =	sor.u32 $0x1C10, s25;
	v19 =	vadd.f32 v20, v21;
	v20 =	vld [tilespmem:s26+$0x0]  }
0x9e: {  	s23 =	sadd.s32 $0x80, s23;
	s20 =	sadd.s32 $0x400, s20;
	v12 =	vadd.f32 v12, v14;
	v13 =	vadd.f32 v13, v15;
	v14 =	vld [tilespmem:s22+$0x0];
	s22 =	sor.u32 $0x1C40, s25  }
0x9f: {  	s28 =	sand.u32 $0x380, s23;
	s29 =	sor.u32 $0x1C50, s25;
	s26 =	sand.u32 $0x2000, s20;
	v15 =	vadd.f32 v24, v17;
	v17 =	vadd.f32 v18, v19;
	v18 =	vld [tilespmem:s22+$0x0]  }
0xa0: {  	v7 =	vadd.f32 v7, v12;
	v9 =	vadd.f32 v9, v13;
	s22 =	sor.u32 s28, s26;
	v12 =	vld [tilespmem:s29+$0x0]  }
0xa1: {  	v10 =	vadd.f32 v10, v15;
	v13 =	vld [tilespmem:s22+$0x1860];
	v11 =	vadd.f32 v11, v17  }
0xa2: {  	v6 =	vadd.f32 v6, v7;
	v9 =	vadd.f32 v5, v9;
	v5 =	vld [tilespmem:s22+$0x1870]  }
0xa3: {  	s25 =	sor.u32 $0x1C58, s25;
	v10 =	vadd.f32 v20, v10;
	v7 =	vld [tilespmem:s22+$0x1820];
	v11 =	vadd.f32 v14, v11  }
0xa4: {  	v15 =	vadd.f32 v16, v9;
	v14 =	vadd.f32 v22, v6;
	v16 =	vld [tilespmem:s25+$0x0]  }
0xa5: {  	v17 =	vadd.f32 v18, v10;
	v9 =	vld [tilespmem:s22+$0x1830];
	v12 =	vadd.f32 v12, v11  }
0xa6: {  	v10 =	vld [tilespmem:s22+$0x1840];
	v6 =	vmov v13  }
0xa7: {  	v14 =	vadd.f32 v15, v14;
	v11 =	vld [tilespmem:s22+$0x1850];
	v17 =	vadd.f32 v12, v17  }
0xa8: {  	v12 =	vld [tilespmem:s22+$0x1460]  }
0xa9: {  	v13 =	vld [tilespmem:s22+$0x1470];
	v16 =	vmul.f32 v0, v16;
	v17 =	vadd.f32 v17, v14  }
0xaa: {  	v14 =	vld [tilespmem:s22+$0x1420]  }
0xab: {  	v15 =	vld [tilespmem:s22+$0x1430];
	v18 =	vadd.f32 v17, v16  }
0xac: {  	v16 =	vld [tilespmem:s22+$0x1060]  }
0xad: {  	v17 =	vld [tilespmem:s22+$0x1070];
	(xrf2) =	vadd.scan.msk.f32 $0xffff, v18  }
0xae: {  	v18 =	vld [tilespmem:s22+$0x1020]  }
0xaf: {  	v19 =	vld [tilespmem:s22+$0x1030]  }
0xb0: {  	v20 =	vld [tilespmem:s22+$0xC60]  }
0xb1: {  	v21 =	vld [tilespmem:s22+$0xC70]  }
0xb2: {  	v22 =	vld [tilespmem:s22+$0xC20]  }
0xb3: {  	v23 =	vld [tilespmem:s22+$0xC30]  }
0xb4: {  	v24 =	vld [tilespmem:s22+$0x860]  }
0xb5: {  	v25 =	vld [tilespmem:s22+$0x870]  }
0xb6: {  	v26 =	vld [tilespmem:s22+$0x820]  }
0xb7: {  	v29 =	vmov s21;
	s21 =	smov.u32 s24;
	v27 =	vld [tilespmem:s22+$0x830];
	v30, _, _ =	vpop (xrf2)  }
0xb8: {  	vm0 =	veq.s32 v29, v1;
	v28 =	vld [tilespmem:s22+$0x460];
	v31 =	vbroadcast v30, $0xF  }
0xb9: {  	v32 =	vsel vm0, $0x3F800000, v2;
	v29 =	vld [tilespmem:s22+$0x470]  }
0xba: {  	v30 =	vld [tilespmem:s22+$0x420];
	v33 =	vmul.f32 v32, v31  }
.Ltmp2:
0xbb: {  	v31 =	vld [tilespmem:s22+$0x430];
	(pc) =	sbr.rel @p0 .LBB2_3-.Ltmp2, $4  }
0xbc: {  	v32 =	vld [tilespmem:s22+$0x60];
	v8 =	vadd.f32 v33, v8  }
0xbd: {  	v33 =	vld [tilespmem:s22+$0x70]  }
0xbe: {  	v34 =	vld [tilespmem:s22+$0x20]  }
0xbf: {  	s24 =	sadd.s32 $0x1, s24;
	v35 =	vld [tilespmem:s22+$0x30]  }
0xc0: {  	v36 =	vld [tilespmem:s22+$0x0]  }
0xc1: {  	v37 =	vld [tilespmem:s22+$0x10]  }
0xc2: {  	v38 =	vld [tilespmem:s22+$0x40]  }
0xc3: {  	v39 =	vld [tilespmem:s22+$0x50]  }
0xc4: {  	v40 =	vld [tilespmem:s22+$0x400]  }
0xc5: {  	v41 =	vld [tilespmem:s22+$0x410];
	v34 =	vadd.f32 $0.0e+00, v34  }
0xc6: {  	v42 =	vld [tilespmem:s22+$0x440];
	v36 =	vadd.f32 $0.0e+00, v36;
	v37 =	vadd.f32 $0.0e+00, v37  }
0xc7: {  	v43 =	vld [tilespmem:s22+$0x450];
	v35 =	vadd.f32 $0.0e+00, v35;
	v32 =	vadd.f32 v32, v34  }
0xc8: {  	v52 =	vld [tilespmem:s22+$0x800];
	v36 =	vadd.f32 v38, v36;
	v37 =	vadd.f32 v39, v37  }
0xc9: {  	v53 =	vld [tilespmem:s22+$0x810];
	v33 =	vadd.f32 v33, v35;
	v30 =	vadd.f32 v30, v32  }
0xca: {  	v56 =	vld [tilespmem:s22+$0x840];
	v54 =	vadd.f32 v40, v36;
	v55 =	vadd.f32 v41, v37  }
0xcb: {  	v57 =	vld [tilespmem:s22+$0x850];
	v31 =	vadd.f32 v31, v33;
	v28 =	vadd.f32 v28, v30  }
0xcc: {  	v60 =	vld [tilespmem:s22+$0xC00];
	v58 =	vadd.f32 v42, v54;
	v59 =	vadd.f32 v43, v55  }
0xcd: {  	v30 =	vld [tilespmem:s22+$0xC10];
	v29 =	vadd.f32 v29, v31;
	v26 =	vadd.f32 v26, v28  }
0xce: {  	v62 =	vld [tilespmem:s22+$0xC40];
	v31 =	vadd.f32 v52, v58;
	v61 =	vadd.f32 v53, v59  }
0xcf: {  	v28 =	vld [tilespmem:s22+$0xC50];
	v27 =	vadd.f32 v27, v29;
	v24 =	vadd.f32 v24, v26  }
0xd0: {  	v63 =	vld [tilespmem:s22+$0x1000];
	v29 =	vadd.f32 v56, v31;
	v31 =	vadd.f32 v57, v61  }
0xd1: {  	v26 =	vld [tilespmem:s22+$0x1010];
	v25 =	vadd.f32 v25, v27;
	v22 =	vadd.f32 v22, v24  }
0xd2: {  	v24 =	vld [tilespmem:s22+$0x1050];
	v27 =	vadd.f32 v60, v29;
	v29 =	vadd.f32 v30, v31  }
0xd3: {  	v23 =	vadd.f32 v23, v25;
	v30 =	vld [tilespmem:s22+$0x1040];
	v20 =	vadd.f32 v20, v22  }
0xd4: {  	v22 =	vld [tilespmem:s22+$0x1410];
	v25 =	vadd.f32 v62, v27;
	v27 =	vadd.f32 v28, v29  }
0xd5: {  	s19 =	sadd.s32 $0x1, s19;
	v21 =	vadd.f32 v21, v23;
	v28 =	vld [tilespmem:s22+$0x1400];
	v18 =	vadd.f32 v18, v20  }
0xd6: {  	s19 =	sand.u32 $0x7, s19;
	v20 =	vld [tilespmem:s22+$0x1450];
	v23 =	vadd.f32 v63, v25;
	v25 =	vadd.f32 v26, v27  }
0xd7: {  	s19 =	sshll.u32 s19, $0x7;
	v19 =	vadd.f32 v19, v21;
	v26 =	vld [tilespmem:s22+$0x1440];
	v16 =	vadd.f32 v16, v18  }
0xd8: {  	s19 =	sadd.s32 s19, s20;
	v18 =	vld [tilespmem:s22+$0x1810];
	v21 =	vadd.f32 v30, v23;
	v23 =	vadd.f32 v24, v25  }
0xd9: {  	v17 =	vadd.f32 v17, v19;
	v24 =	vld [tilespmem:s22+$0x1800];
	s22 =	sor.u32 $0x1C30, s19;
	v14 =	vadd.f32 v14, v16  }
0xda: {  	s20 =	sor.u32 $0x1C20, s19;
	v16 =	vld [tilespmem:s22+$0x0];
	v19 =	vadd.f32 v28, v21;
	v21 =	vadd.f32 v22, v23  }
0xdb: {  	s24 =	sor.u32 $0x1C10, s19;
	v15 =	vadd.f32 v15, v17;
	v22 =	vld [tilespmem:s20+$0x0];
	v12 =	vadd.f32 v12, v14  }
0xdc: {  	s23 =	sor.u32 $0x1C00, s19;
	v14 =	vld [tilespmem:s24+$0x0];
	v17 =	vadd.f32 v26, v19;
	v19 =	vadd.f32 v20, v21  }
0xdd: {  	s26 =	sor.u32 $0x1C50, s19;
	v13 =	vadd.f32 v13, v15;
	v20 =	vld [tilespmem:s23+$0x0];
	v7 =	vadd.f32 v7, v12  }
0xde: {  	s25 =	sor.u32 $0x1C40, s19;
	v12 =	vld [tilespmem:s26+$0x0];
	v15 =	vadd.f32 v24, v17;
	v17 =	vadd.f32 v18, v19  }
0xdf: {  	v9 =	vadd.f32 v9, v13;
	v18 =	vld [tilespmem:s25+$0x0]  }
0xe0: {  	v10 =	vadd.f32 v10, v15;
	v11 =	vadd.f32 v11, v17  }
0xe1: {  	v6 =	vadd.f32 v6, v7;
	v5 =	vadd.f32 v5, v9  }
0xe2: {  	s19 =	sor.u32 $0x1C58, s19;
	v7 =	vadd.f32 v20, v10;
	v9 =	vadd.f32 v14, v11  }
0xe3: {  	v6 =	vadd.f32 v22, v6;
	v5 =	vadd.f32 v16, v5;
	v10 =	vld [tilespmem:s19+$0x0]  }
0xe4: {  	v7 =	vadd.f32 v18, v7;
	v9 =	vadd.f32 v12, v9;
	_ =	sdelay $0x1  }
0xe5: {  	v5 =	vadd.f32 v5, v6;
	v7 =	vadd.f32 v9, v7;
	_ =	sdelay $0x1  }
0xe6: {  	v6 =	vmul.f32 v0, v10;
	v5 =	vadd.f32 v7, v5;
	_ =	sdelay $0x1  }
0xe7: {  	v5 =	vadd.f32 v5, v6;
	_ =	sdelay $0x1  }
0xe8: {  	s19 =	sshll.u32 s18, $0x6;
	(xrf2) =	vadd.scan.msk.f32 $0xffff, v5  }
0xe9: {  	v5 =	vld [tilespmem:s19+$0x10000];
	_ =	sdelay $0x4  }
0xea: {  	v6 =	vshll.u32 v5, $0x3  }
0xeb: {  	v5 =	vand.u32 $0x7F, v5;
	v6 =	vand.u32 $0xFFFFFC00, v6  }
0xec: {  	v5 =	vor.u32 v5, v6  }
0xed: {  	v5 =	vadd.s32 v3, v5  }
0xee: {  	v6 =	vmov s21;
	v7, _, _ =	vpop (xrf2)  }
0xef: {  	vm0 =	veq.s32 v6, v1;
	v6 =	vbroadcast v7, $0xF  }
0xf0: {  	v7 =	vsel vm0, $0x3F800000, v2  }
0xf1: {  	s23 =	simm.s32 $0x0;
	v6 =	vmul.f32 v7, v6  }
0xf2: {  	v5 =	vld.idx.msk [tilespmem:v5+s23+$0x0], $0xffff  }
0xf3: {  	v6 =	vadd.f32 v6, v8;
	_ =	sdelay $0x1  }
0xf4: {  	v6 =	vmul.f32 $-1.000000050e-03, v6;
	_ =	sdelay $0x1  }
0xf5: {  	v5 =	vadd.f32 v6, v5  }
0xf6: {  	s28 =	sor.u32 s23, s23  }
0xf7: {  	s20 =	sor.u32 $0x5C00, s28;
	[tilespmem:s19+$0x10200] =	vst v5  }
0xf8: {  	s29 =	sand.u32 $0x2000, s23;
	s30 =	sand.u32 $0x380, s23;
	v6 =	vld [tilespmem:s20+$0x20]  }
0xf9: {  	s22 =	sor.u32 s30, s29;
	v7 =	vld [tilespmem:s20+$0x30]  }
0xfa: {  	v8 =	vld [tilespmem:s22+$0x5860]  }
0xfb: {  	v9 =	vld [tilespmem:s22+$0x5870]  }
0xfc: {  	v10 =	vld [tilespmem:s22+$0x5820]  }
0xfd: {  	v11 =	vld [tilespmem:s22+$0x5830]  }
0xfe: {  	v12 =	vld [tilespmem:s22+$0x5800]  }
0xff: {  	v13 =	vld [tilespmem:s22+$0x5060]  }
0x100: {  	v14 =	vld [tilespmem:s22+$0x5070]  }
0x101: {  	v15 =	vld [tilespmem:s22+$0x5020]  }
0x102: {  	v17 =	vld [tilespmem:s22+$0x5030]  }
0x103: {  	v16 =	vld [tilespmem:s22+$0x5040]  }
0x104: {  	v18 =	vld [tilespmem:s22+$0x5050]  }
0x105: {  	v19 =	vld [tilespmem:s22+$0x5000]  }
0x106: {  	v20 =	vld [tilespmem:s22+$0x5010]  }
0x107: {  	v21 =	vld [tilespmem:s22+$0x4860]  }
0x108: {  	v22 =	vld [tilespmem:s22+$0x4870]  }
0x109: {  	v24 =	vld [tilespmem:s22+$0x4820]  }
0x10a: {  	v26 =	vld [tilespmem:s22+$0x4830]  }
0x10b: {  	v23 =	vld [tilespmem:s22+$0x4840]  }
0x10c: {  	v25 =	vld [tilespmem:s22+$0x4850]  }
0x10d: {  	v27 =	vld [tilespmem:s22+$0x4800]  }
0x10e: {  	v28 =	vld [tilespmem:s22+$0x4810]  }
0x10f: {  	v29 =	vld [tilespmem:s22+$0x4060]  }
0x110: {  	v30 =	vld [tilespmem:s22+$0x4070]  }
0x111: {  	v31 =	vld [tilespmem:s22+$0x4020]  }
0x112: {  	v33 =	vld [tilespmem:s22+$0x4030]  }
0x113: {  	v32 =	vld [tilespmem:s22+$0x4040]  }
0x114: {  	s24 =	simm.s32 $0x1;
	s31 =	sand.u32 $0xFFFFE000, s23;
	v34 =	vld [tilespmem:s22+$0x4050]  }
0x115: {  	s26 =	sadd.s32 $0x0, s31;
	s25 =	simm.s32 $0x0;
	s21 =	simm.s32 $0x0;
	v5 =	vimm.f32 $0.0e+00;
	v35 =	vld [tilespmem:s22+$0x4000]  }
.LBB2_5:
0x116: {  	p0 =	sne.s32 s24, $0xF;
	v36 =	vld [tilespmem:s22+$0x4010];
	s28 =	sor.u32 $0x4400, s26  }
0x117: {  	v37 =	vld [tilespmem:s28+$0x60]  }
0x118: {  	v38 =	vld [tilespmem:s28+$0x20]  }
0x119: {  	v39 =	vld [tilespmem:s28+$0x30]  }
0x11a: {  	v40 =	vld [tilespmem:s28+$0x0]  }
0x11b: {  	v41 =	vld [tilespmem:s28+$0x10]  }
0x11c: {  	v35 =	vadd.f32 $0.0e+00, v35;
	v36 =	vadd.f32 $0.0e+00, v36;
	v42 =	vld [tilespmem:s28+$0x40]  }
0x11d: {  	v31 =	vadd.f32 $0.0e+00, v31;
	v33 =	vadd.f32 $0.0e+00, v33;
	v43 =	vld [tilespmem:s28+$0x50]  }
0x11e: {  	v32 =	vadd.f32 v32, v35;
	v34 =	vadd.f32 v34, v36;
	v35 =	vld [tilespmem:s28+$0x70];
	s28 =	sor.u32 $0x4C00, s26  }
0x11f: {  	v29 =	vadd.f32 v29, v31;
	v30 =	vadd.f32 v30, v33;
	v31 =	vld [tilespmem:s28+$0x60]  }
0x120: {  	v32 =	vadd.f32 v40, v32;
	v33 =	vadd.f32 v41, v34;
	v34 =	vld [tilespmem:s28+$0x20]  }
0x121: {  	v29 =	vadd.f32 v38, v29;
	v30 =	vadd.f32 v39, v30;
	v36 =	vld [tilespmem:s28+$0x30]  }
0x122: {  	v32 =	vadd.f32 v42, v32;
	v33 =	vadd.f32 v43, v33;
	v38 =	vld [tilespmem:s28+$0x0]  }
0x123: {  	v29 =	vadd.f32 v37, v29;
	v30 =	vadd.f32 v35, v30;
	v35 =	vld [tilespmem:s28+$0x10]  }
0x124: {  	v27 =	vadd.f32 v27, v32;
	v28 =	vadd.f32 v28, v33;
	v32 =	vld [tilespmem:s28+$0x40]  }
0x125: {  	v24 =	vadd.f32 v24, v29;
	v26 =	vadd.f32 v26, v30;
	v29 =	vld [tilespmem:s28+$0x50]  }
0x126: {  	s26 =	sor.u32 $0x5400, s26;
	v23 =	vadd.f32 v23, v27;
	v25 =	vadd.f32 v25, v28;
	v27 =	vld [tilespmem:s28+$0x70]  }
0x127: {  	v21 =	vadd.f32 v21, v24;
	v22 =	vadd.f32 v22, v26;
	v24 =	vld [tilespmem:s26+$0x60]  }
0x128: {  	v23 =	vadd.f32 v38, v23;
	v25 =	vadd.f32 v35, v25;
	v26 =	vld [tilespmem:s26+$0x20]  }
0x129: {  	v21 =	vadd.f32 v34, v21;
	v22 =	vadd.f32 v36, v22;
	v28 =	vld [tilespmem:s26+$0x30]  }
0x12a: {  	v23 =	vadd.f32 v32, v23;
	v25 =	vadd.f32 v29, v25;
	v29 =	vld [tilespmem:s26+$0x0]  }
0x12b: {  	v21 =	vadd.f32 v31, v21;
	v22 =	vadd.f32 v27, v22;
	v27 =	vld [tilespmem:s26+$0x10]  }
0x12c: {  	v19 =	vadd.f32 v19, v23;
	v20 =	vadd.f32 v20, v25;
	v23 =	vld [tilespmem:s26+$0x40]  }
0x12d: {  	v15 =	vadd.f32 v15, v21;
	v17 =	vadd.f32 v17, v22;
	v21 =	vld [tilespmem:s26+$0x50]  }
0x12e: {  	v16 =	vadd.f32 v16, v19;
	v18 =	vadd.f32 v18, v20;
	v19 =	vld [tilespmem:s26+$0x70]  }
0x12f: {  	v13 =	vadd.f32 v13, v15;
	v14 =	vadd.f32 v14, v17;
	v15 =	vld [tilespmem:s22+$0x5810]  }
0x130: {  	v16 =	vadd.f32 v29, v16;
	v17 =	vadd.f32 v27, v18;
	v18 =	vld [tilespmem:s22+$0x5840]  }
0x131: {  	v13 =	vadd.f32 v26, v13;
	v14 =	vadd.f32 v28, v14;
	v20 =	vld [tilespmem:s22+$0x5850]  }
0x132: {  	v16 =	vadd.f32 v23, v16;
	v17 =	vadd.f32 v21, v17;
	v21 =	vld [tilespmem:s20+$0x0]  }
0x133: {  	v13 =	vadd.f32 v24, v13;
	v14 =	vadd.f32 v19, v14;
	v19 =	vld [tilespmem:s20+$0x10]  }
0x134: {  	s23 =	sadd.s32 $0x80, s23;
	s25 =	sadd.s32 $0x400, s25;
	v12 =	vadd.f32 v12, v16;
	v15 =	vadd.f32 v15, v17;
	v16 =	vld [tilespmem:s20+$0x40]  }
0x135: {  	s22 =	sor.u32 s25, s23;
	v10 =	vadd.f32 v10, v13;
	v11 =	vadd.f32 v11, v14;
	v13 =	vld [tilespmem:s20+$0x50]  }
0x136: {  	v12 =	vadd.f32 v18, v12;
	v14 =	vadd.f32 v20, v15;
	v15 =	vld [tilespmem:s20+$0x58];
	s20 =	sor.u32 $0x5C00, s22  }
0x137: {  	s26 =	sand.u32 $0x380, s23;
	v10 =	vadd.f32 v8, v10;
	s22 =	sand.u32 $0x2000, s25;
	v17 =	vld [tilespmem:s20+$0x20];
	v9 =	vadd.f32 v9, v11  }
0x138: {  	s22 =	sor.u32 s26, s22;
	v11 =	vadd.f32 v21, v12;
	v18 =	vld [tilespmem:s20+$0x30];
	v12 =	vadd.f32 v19, v14  }
0x139: {  	v19 =	vadd.f32 v6, v10;
	v8 =	vld [tilespmem:s22+$0x5860];
	v7 =	vadd.f32 v7, v9  }
0x13a: {  	v14 =	vadd.f32 v16, v11;
	v9 =	vld [tilespmem:s22+$0x5870];
	v12 =	vadd.f32 v13, v12  }
0x13b: {  	v10 =	vld [tilespmem:s22+$0x5820]  }
0x13c: {  	v16 =	vadd.f32 v7, v19;
	v11 =	vld [tilespmem:s22+$0x5830];
	v14 =	vadd.f32 v12, v14;
	v6 =	vmov v17  }
0x13d: {  	v12 =	vld [tilespmem:s22+$0x5800];
	v7 =	vmov v18  }
0x13e: {  	v17 =	vmul.f32 v0, v15;
	v13 =	vld [tilespmem:s22+$0x5060];
	v16 =	vadd.f32 v14, v16  }
0x13f: {  	v14 =	vld [tilespmem:s22+$0x5070]  }
0x140: {  	v15 =	vld [tilespmem:s22+$0x5020];
	v18 =	vadd.f32 v16, v17  }
0x141: {  	v17 =	vld [tilespmem:s22+$0x5030]  }
0x142: {  	v16 =	vld [tilespmem:s22+$0x5040];
	(xrf2) =	vadd.scan.msk.f32 $0xffff, v18  }
0x143: {  	v18 =	vld [tilespmem:s22+$0x5050]  }
0x144: {  	v19 =	vld [tilespmem:s22+$0x5000]  }
0x145: {  	v20 =	vld [tilespmem:s22+$0x5010]  }
0x146: {  	v21 =	vld [tilespmem:s22+$0x4860]  }
0x147: {  	v22 =	vld [tilespmem:s22+$0x4870]  }
0x148: {  	v24 =	vld [tilespmem:s22+$0x4820]  }
0x149: {  	v26 =	vld [tilespmem:s22+$0x4830]  }
0x14a: {  	v23 =	vld [tilespmem:s22+$0x4840]  }
0x14b: {  	v25 =	vld [tilespmem:s22+$0x4850]  }
0x14c: {  	v29 =	vmov s21;
	s21 =	smov.u32 s24;
	v27 =	vld [tilespmem:s22+$0x4800];
	v30, _, _ =	vpop (xrf2)  }
0x14d: {  	vm0 =	veq.s32 v29, v1;
	v28 =	vld [tilespmem:s22+$0x4810];
	v31 =	vbroadcast v30, $0xF  }
0x14e: {  	v32 =	vsel vm0, $0x3F800000, v2;
	v29 =	vld [tilespmem:s22+$0x4060]  }
0x14f: {  	v30 =	vld [tilespmem:s22+$0x4070];
	v32 =	vmul.f32 v32, v31  }
.Ltmp3:
0x150: {  	v31 =	vld [tilespmem:s22+$0x4020];
	(pc) =	sbr.rel @p0 .LBB2_5-.Ltmp3, $4  }
0x151: {  	v33 =	vld [tilespmem:s22+$0x4030];
	v5 =	vadd.f32 v32, v5  }
0x152: {  	v32 =	vld [tilespmem:s22+$0x4040]  }
0x153: {  	s26 =	sand.u32 $0xFFFFE000, s25;
	v34 =	vld [tilespmem:s22+$0x4050]  }
0x154: {  	s24 =	sadd.s32 $0x1, s24;
	s26 =	sadd.s32 s26, s23;
	v35 =	vld [tilespmem:s22+$0x4000]  }
0x155: {  	v36 =	vld [tilespmem:s22+$0x4010];
	s23 =	sor.u32 $0x4400, s26  }
0x156: {  	v37 =	vld [tilespmem:s23+$0x60]  }
0x157: {  	v38 =	vld [tilespmem:s23+$0x20]  }
0x158: {  	v39 =	vld [tilespmem:s23+$0x30]  }
0x159: {  	v40 =	vld [tilespmem:s23+$0x0]  }
0x15a: {  	v31 =	vadd.f32 $0.0e+00, v31;
	v41 =	vld [tilespmem:s23+$0x10]  }
0x15b: {  	v42 =	vld [tilespmem:s23+$0x40];
	v35 =	vadd.f32 $0.0e+00, v35;
	v36 =	vadd.f32 $0.0e+00, v36  }
0x15c: {  	v33 =	vadd.f32 $0.0e+00, v33;
	v43 =	vld [tilespmem:s23+$0x50];
	v29 =	vadd.f32 v29, v31  }
0x15d: {  	s30 =	sor.u32 $0x4C00, s26;
	v48 =	vld [tilespmem:s23+$0x70];
	v32 =	vadd.f32 v32, v35;
	v34 =	vadd.f32 v34, v36  }
0x15e: {  	v50 =	vld [tilespmem:s30+$0x20];
	v30 =	vadd.f32 v30, v33;
	v29 =	vadd.f32 v38, v29  }
0x15f: {  	v51 =	vld [tilespmem:s30+$0x30];
	v32 =	vadd.f32 v40, v32;
	v49 =	vadd.f32 v41, v34  }
0x160: {  	v52 =	vld [tilespmem:s30+$0x0];
	v30 =	vadd.f32 v39, v30;
	v29 =	vadd.f32 v37, v29  }
0x161: {  	v53 =	vld [tilespmem:s30+$0x10];
	v32 =	vadd.f32 v42, v32;
	v33 =	vadd.f32 v43, v49  }
0x162: {  	v54 =	vld [tilespmem:s30+$0x40];
	v30 =	vadd.f32 v48, v30;
	v24 =	vadd.f32 v24, v29  }
0x163: {  	v31 =	vld [tilespmem:s30+$0x60];
	v27 =	vadd.f32 v27, v32;
	v28 =	vadd.f32 v28, v33  }
0x164: {  	v26 =	vadd.f32 v26, v30;
	v29 =	vld [tilespmem:s30+$0x50];
	v21 =	vadd.f32 v21, v24  }
0x165: {  	s31 =	sor.u32 $0x5400, s26;
	v23 =	vadd.f32 v23, v27;
	v27 =	vld [tilespmem:s30+$0x70];
	v25 =	vadd.f32 v25, v28  }
0x166: {  	v22 =	vadd.f32 v22, v26;
	v24 =	vld [tilespmem:s31+$0x60];
	v21 =	vadd.f32 v50, v21  }
0x167: {  	v26 =	vld [tilespmem:s31+$0x20];
	v23 =	vadd.f32 v52, v23;
	v25 =	vadd.f32 v53, v25  }
0x168: {  	v22 =	vadd.f32 v51, v22;
	v28 =	vld [tilespmem:s31+$0x30];
	v21 =	vadd.f32 v31, v21  }
0x169: {  	v23 =	vadd.f32 v54, v23;
	v25 =	vadd.f32 v29, v25;
	v29 =	vld [tilespmem:s31+$0x0]  }
0x16a: {  	v15 =	vadd.f32 v15, v21;
	v22 =	vadd.f32 v27, v22;
	v27 =	vld [tilespmem:s31+$0x10]  }
0x16b: {  	v21 =	vld [tilespmem:s31+$0x50];
	v19 =	vadd.f32 v19, v23;
	v20 =	vadd.f32 v20, v25  }
0x16c: {  	v23 =	vld [tilespmem:s31+$0x40];
	v13 =	vadd.f32 v13, v15;
	v17 =	vadd.f32 v17, v22  }
0x16d: {  	v16 =	vadd.f32 v16, v19;
	v19 =	vld [tilespmem:s31+$0x70];
	v18 =	vadd.f32 v18, v20  }
0x16e: {  	v15 =	vld [tilespmem:s22+$0x5810];
	v13 =	vadd.f32 v26, v13;
	v14 =	vadd.f32 v14, v17  }
0x16f: {  	v20 =	vld [tilespmem:s22+$0x5850];
	v16 =	vadd.f32 v29, v16;
	v17 =	vadd.f32 v27, v18  }
0x170: {  	v13 =	vadd.f32 v24, v13;
	v18 =	vld [tilespmem:s22+$0x5840];
	v14 =	vadd.f32 v28, v14  }
0x171: {  	v16 =	vadd.f32 v23, v16;
	v17 =	vadd.f32 v21, v17;
	v21 =	vld [tilespmem:s20+$0x0]  }
0x172: {  	v10 =	vadd.f32 v10, v13;
	v14 =	vadd.f32 v19, v14;
	v19 =	vld [tilespmem:s20+$0x10]  }
0x173: {  	v13 =	vld [tilespmem:s20+$0x50];
	v12 =	vadd.f32 v12, v16;
	v15 =	vadd.f32 v15, v17  }
0x174: {  	v16 =	vld [tilespmem:s20+$0x40];
	v11 =	vadd.f32 v11, v14  }
0x175: {  	v12 =	vadd.f32 v18, v12;
	v14 =	vadd.f32 v20, v15  }
0x176: {  	v8 =	vadd.f32 v8, v10;
	v9 =	vadd.f32 v9, v11  }
0x177: {  	v10 =	vadd.f32 v21, v12;
	v11 =	vadd.f32 v19, v14  }
0x178: {  	v6 =	vadd.f32 v6, v8;
	v12 =	vld [tilespmem:s20+$0x58];
	v7 =	vadd.f32 v7, v9  }
0x179: {  	v8 =	vadd.f32 v16, v10;
	v9 =	vadd.f32 v13, v11;
	_ =	sdelay $0x1  }
0x17a: {  	v6 =	vadd.f32 v7, v6;
	v8 =	vadd.f32 v9, v8;
	_ =	sdelay $0x1  }
0x17b: {  	v7 =	vmul.f32 v0, v12;
	v6 =	vadd.f32 v8, v6;
	_ =	sdelay $0x1  }
0x17c: {  	v6 =	vadd.f32 v6, v7;
	_ =	sdelay $0x1  }
0x17d: {  	(xrf2) =	vadd.scan.msk.f32 $0xffff, v6  }
0x17e: {  	v6 =	vld [tilespmem:s19+$0x10010];
	_ =	sdelay $0x4  }
0x17f: {  	v7 =	vshll.u32 v6, $0x3  }
0x180: {  	v6 =	vand.u32 $0x7F, v6;
	v7 =	vand.u32 $0xFFFFFC00, v7  }
0x181: {  	v6 =	vor.u32 v6, v7  }
0x182: {  	v6 =	vadd.s32 v4, v6  }
0x183: {  	v7 =	vmov s21;
	v8, _, _ =	vpop (xrf2)  }
0x184: {  	vm0 =	veq.s32 v7, v1;
	v7 =	vbroadcast v8, $0xF  }
0x185: {  	v8 =	vsel vm0, $0x3F800000, v2  }
0x186: {  	v7 =	vmul.f32 v8, v7  }
0x187: {  	v6 =	vld.idx.msk [tilespmem:v6+s2+$0x0], $0xffff  }
0x188: {  	v5 =	vadd.f32 v7, v5;
	_ =	sdelay $0x1  }
0x189: {  	v5 =	vmul.f32 $-1.000000050e-03, v5;
	_ =	sdelay $0x1  }
0x18a: {  	v5 =	vadd.f32 v5, v6  }
0x18b: {  	p0 =	seq.s32 s18, $0x7;
	s20 =	sshll.u32 s18, $0xD  }
0x18c: {  	s22 =	simm.s32 @!p0 $0x0;
	s21 =	sadd.s32 @!p0 s20, s6;
	[tilespmem:s19+$0x10210] =	vst v5  }
0x18d: {  	[tilespmem:s22], [sflag:$0x1] =	stream.linear.gather @!p0 [hbm4b:s21+s22], $0x8000, $0x38;
	[tilespmem:$0x10400] =	vst v63  }
0x18e: {  	s21 =	simm.s32 $0x0;
	_ =	swait.ge [sflag:s14], $0x8000  }
0x18f: {  	s23 =	sand.u32 $0x2000, s21;
	s24 =	sand.u32 $0x380, s21;
	[sflag:s14] =	ssyncset.done $0x0  }
0x190: {  	s22 =	sor.u32 s24, s23;
	[sflag:s14] =	ssyncadd.s32 $0xFFFF8000  }
0x191: {  	v8 =	vld [tilespmem:s22+$0x9860]  }
0x192: {  	v9 =	vld [tilespmem:s22+$0x9870]  }
0x193: {  	v7 =	vld [tilespmem:s22+$0x9820]  }
0x194: {  	v10 =	vld [tilespmem:s22+$0x9830]  }
0x195: {  	v11 =	vld [tilespmem:s22+$0x9840]  }
0x196: {  	v12 =	vld [tilespmem:s22+$0x9850]  }
0x197: {  	v5 =	vld [tilespmem:s22+$0x9460]  }
0x198: {  	v6 =	vld [tilespmem:s22+$0x9470]  }
0x199: {  	v13 =	vld [tilespmem:s22+$0x9420]  }
0x19a: {  	v14 =	vld [tilespmem:s22+$0x9430]  }
0x19b: {  	v15 =	vld [tilespmem:s22+$0x9060]  }
0x19c: {  	v16 =	vld [tilespmem:s22+$0x9070]  }
0x19d: {  	v17 =	vld [tilespmem:s22+$0x9020]  }
0x19e: {  	v18 =	vld [tilespmem:s22+$0x9030]  }
0x19f: {  	v19 =	vld [tilespmem:s22+$0x8C60]  }
0x1a0: {  	v20 =	vld [tilespmem:s22+$0x8C70]  }
0x1a1: {  	v21 =	vld [tilespmem:s22+$0x8C20]  }
0x1a2: {  	v22 =	vld [tilespmem:s22+$0x8C30]  }
0x1a3: {  	v23 =	vld [tilespmem:s22+$0x8860]  }
0x1a4: {  	v24 =	vld [tilespmem:s22+$0x8870]  }
0x1a5: {  	v25 =	vld [tilespmem:s22+$0x8820]  }
0x1a6: {  	v26 =	vld [tilespmem:s22+$0x8830]  }
0x1a7: {  	v27 =	vld [tilespmem:s22+$0x8460]  }
0x1a8: {  	v28 =	vld [tilespmem:s22+$0x8470]  }
0x1a9: {  	v29 =	vld [tilespmem:s22+$0x8420]  }
0x1aa: {  	v30 =	vld [tilespmem:s22+$0x8430]  }
0x1ab: {  	v31 =	vld [tilespmem:s22+$0x8060]  }
0x1ac: {  	v55 =	vld [tilespmem:s22+$0x8070]  }
0x1ad: {  	v56 =	vld [tilespmem:s22+$0x8020]  }
0x1ae: {  	v57 =	vld [tilespmem:s22+$0x8030]  }
0x1af: {  	v58 =	vld [tilespmem:s22+$0x8000]  }
0x1b0: {  	v59 =	vld [tilespmem:s22+$0x8010]  }
0x1b1: {  	v60 =	vld [tilespmem:s22+$0x8040]  }
0x1b2: {  	v61 =	vld [tilespmem:s22+$0x8050]  }
0x1b3: {  	v62 =	vld [tilespmem:s22+$0x8400]  }
0x1b4: {  	v63 =	vld [tilespmem:s22+$0x8410]  }
0x1b5: {  	v48 =	vld [tilespmem:s22+$0x8440]  }
0x1b6: {  	v49 =	vld [tilespmem:s22+$0x8450]  }
0x1b7: {  	v50 =	vld [tilespmem:s22+$0x8800]  }
0x1b8: {  	v44 =	vld [tilespmem:s22+$0x8810];
	v35 =	vadd.f32 $0.0e+00, v58;
	v36 =	vadd.f32 $0.0e+00, v59  }
0x1b9: {  	v45 =	vld [tilespmem:s22+$0x8840];
	v33 =	vadd.f32 $0.0e+00, v56;
	v34 =	vadd.f32 $0.0e+00, v57  }
0x1ba: {  	v51 =	vld [tilespmem:s22+$0x8850];
	v35 =	vadd.f32 v60, v35;
	v36 =	vadd.f32 v61, v36  }
0x1bb: {  	v52 =	vld [tilespmem:s22+$0x8C00];
	v31 =	vadd.f32 v31, v33;
	v32 =	vadd.f32 v55, v34  }
0x1bc: {  	v58 =	vld [tilespmem:s22+$0x8C50];
	v53 =	vadd.f32 v62, v35;
	v54 =	vadd.f32 v63, v36  }
0x1bd: {  	v55 =	vld [tilespmem:s22+$0x8C10];
	v29 =	vadd.f32 v29, v31;
	v30 =	vadd.f32 v30, v32  }
0x1be: {  	v60 =	vld [tilespmem:s22+$0x9010];
	v56 =	vadd.f32 v48, v53;
	v57 =	vadd.f32 v49, v54  }
0x1bf: {  	v61 =	vld [tilespmem:s22+$0x9050];
	v27 =	vadd.f32 v27, v29;
	v28 =	vadd.f32 v28, v30  }
0x1c0: {  	v31 =	vld [tilespmem:s22+$0x8C40];
	v30 =	vadd.f32 v50, v56;
	v59 =	vadd.f32 v44, v57  }
0x1c1: {  	v29 =	vld [tilespmem:s22+$0x9000];
	v25 =	vadd.f32 v25, v27;
	v26 =	vadd.f32 v26, v28  }
0x1c2: {  	v27 =	vld [tilespmem:s22+$0x9040];
	v28 =	vadd.f32 v45, v30;
	v30 =	vadd.f32 v51, v59  }
0x1c3: {  	v23 =	vadd.f32 v23, v25;
	v24 =	vadd.f32 v24, v26;
	v25 =	vld [tilespmem:s22+$0x9400]  }
0x1c4: {  	v26 =	vadd.f32 v52, v28;
	v28 =	vadd.f32 v55, v30;
	v30 =	vld [tilespmem:s22+$0x9410]  }
0x1c5: {  	s25 =	sand.u32 $0x7, s21;
	v21 =	vadd.f32 v21, v23;
	v22 =	vadd.f32 v22, v24;
	v23 =	vld [tilespmem:s22+$0x9440]  }
0x1c6: {  	s23 =	sshll.u32 s25, $0x7;
	v24 =	vadd.f32 v31, v26;
	v26 =	vadd.f32 v58, v28;
	v28 =	vld [tilespmem:s22+$0x9450]  }
0x1c7: {  	s23 =	sadd.s32 $0x0, s23;
	v19 =	vadd.f32 v19, v21;
	v20 =	vadd.f32 v20, v22;
	v21 =	vld [tilespmem:s22+$0x9800]  }
0x1c8: {  	s26 =	sor.u32 $0x1C20, s23;
	v22 =	vadd.f32 v29, v24;
	v24 =	vadd.f32 v60, v26;
	v26 =	vld [tilespmem:s22+$0x9810]  }
0x1c9: {  	s28 =	sor.u32 $0x1C30, s23;
	v17 =	vadd.f32 v17, v19;
	v18 =	vadd.f32 v18, v20;
	v19 =	vld [tilespmem:s26+$0x8000]  }
0x1ca: {  	s24 =	sor.u32 $0x1C00, s23;
	v20 =	vadd.f32 v27, v22;
	v22 =	vadd.f32 v61, v24;
	v24 =	vld [tilespmem:s28+$0x8000]  }
0x1cb: {  	s25 =	simm.s32 $0x80;
	s29 =	sor.u32 $0x1C10, s23;
	s22 =	simm.s32 $0x400;
	v15 =	vadd.f32 v15, v17;
	v16 =	vadd.f32 v16, v18;
	v17 =	vld [tilespmem:s24+$0x8000]  }
0x1cc: {  	s30 =	sor.u32 $0x1C40, s23;
	s31 =	sand.u32 $0x2000, s22;
	s28 =	sand.u32 $0x380, s25;
	v18 =	vadd.f32 v25, v20;
	v20 =	vadd.f32 v30, v22;
	v22 =	vld [tilespmem:s29+$0x8000]  }
0x1cd: {  	s24 =	sor.u32 s28, s31;
	v13 =	vadd.f32 v13, v15;
	v14 =	vadd.f32 v14, v16;
	v15 =	vld [tilespmem:s30+$0x8000]  }
0x1ce: {  	v25 =	vld [tilespmem:s24+$0x8870];
	v16 =	vadd.f32 v23, v18;
	v18 =	vadd.f32 v28, v20  }
0x1cf: {  	v27 =	vld [tilespmem:s24+$0x8830];
	v13 =	vadd.f32 v5, v13;
	v14 =	vadd.f32 v6, v14  }
0x1d0: {  	s29 =	sor.u32 $0x1C50, s23;
	v29 =	vld [tilespmem:s24+$0x8470];
	v16 =	vadd.f32 v21, v16;
	v18 =	vadd.f32 v26, v18  }
0x1d1: {  	v20 =	vld [tilespmem:s29+$0x8000];
	v13 =	vadd.f32 v7, v13;
	v10 =	vadd.f32 v10, v14  }
0x1d2: {  	v30 =	vld [tilespmem:s24+$0x8420];
	v11 =	vadd.f32 v11, v16;
	v12 =	vadd.f32 v12, v18  }
0x1d3: {  	v32 =	vld [tilespmem:s24+$0x8060];
	v8 =	vadd.f32 v8, v13;
	v13 =	vadd.f32 v9, v10  }
0x1d4: {  	s23 =	sor.u32 $0x1C58, s23;
	v33 =	vld [tilespmem:s24+$0x8070];
	v14 =	vadd.f32 v17, v11;
	v12 =	vadd.f32 v22, v12  }
0x1d5: {  	v16 =	vld [tilespmem:s23+$0x8000];
	v8 =	vadd.f32 v19, v8;
	v17 =	vadd.f32 v24, v13  }
0x1d6: {  	v34 =	vld [tilespmem:s24+$0x8020];
	v14 =	vadd.f32 v15, v14;
	v15 =	vadd.f32 v20, v12  }
0x1d7: {  	v35 =	vld [tilespmem:s24+$0x8030]  }
0x1d8: {  	v6 =	vld [tilespmem:s24+$0x9860];
	v8 =	vadd.f32 v17, v8;
	v18 =	vadd.f32 v15, v14  }
0x1d9: {  	v5 =	vld [tilespmem:s24+$0x9870]  }
0x1da: {  	v23 =	vld [tilespmem:s24+$0x8C30];
	v19 =	vmul.f32 v0, v16;
	v8 =	vadd.f32 v18, v8  }
0x1db: {  	v28 =	vld [tilespmem:s24+$0x8460]  }
0x1dc: {  	v7 =	vld [tilespmem:s24+$0x9820];
	v8 =	vadd.f32 v8, v19  }
0x1dd: {  	v21 =	vld [tilespmem:s24+$0x8C70]  }
0x1de: {  	v26 =	vld [tilespmem:s24+$0x8820];
	(xrf2) =	vadd.scan.msk.f32 $0xffff, v8  }
0x1df: {  	v9 =	vld [tilespmem:s24+$0x9830]  }
0x1e0: {  	v10 =	vld [tilespmem:s24+$0x9840]  }
0x1e1: {  	v11 =	vld [tilespmem:s24+$0x9850]  }
0x1e2: {  	v13 =	vld [tilespmem:s24+$0x9470]  }
0x1e3: {  	v22 =	vld [tilespmem:s24+$0x8C20]  }
0x1e4: {  	v24 =	vld [tilespmem:s24+$0x8860]  }
0x1e5: {  	v12 =	vld [tilespmem:s24+$0x9460]  }
0x1e6: {  	v17 =	vld [tilespmem:s24+$0x9070]  }
0x1e7: {  	v20 =	vld [tilespmem:s24+$0x8C60]  }
0x1e8: {  	v16 =	vld [tilespmem:s24+$0x9060];
	v8 =	vmov s21;
	v31, _, _ =	vpop (xrf2)  }
0x1e9: {  	v14 =	vld [tilespmem:s24+$0x9420];
	vm15 =	veq.s32 v8, v1;
	v8 =	vbroadcast v31, $0xF  }
0x1ea: {  	v15 =	vld [tilespmem:s24+$0x9430];
	v62 =	vsel vm15, $0x3F800000, v2  }
0x1eb: {  	v18 =	vld [tilespmem:s24+$0x9020];
	v8 =	vmul.f32 v62, v8  }
0x1ec: {  	v63 =	vimm.f32 $0.0e+00;
	v19 =	vld [tilespmem:s24+$0x9030]  }
0x1ed: {  	s26 =	simm.s32 $0x2;
	s23 =	simm.s32 $0x1;
	v31 =	vld [tilespmem:s24+$0x8430];
	v8 =	vadd.f32 v8, v63  }
.LBB2_7:
0x1ee: {  	p1 =	sne.s32 s26, $0xF;
	v36 =	vld [tilespmem:s24+$0x8000]  }
0x1ef: {  	v37 =	vld [tilespmem:s24+$0x8010]  }
0x1f0: {  	v38 =	vld [tilespmem:s24+$0x8040]  }
0x1f1: {  	v39 =	vld [tilespmem:s24+$0x8050]  }
0x1f2: {  	v40 =	vld [tilespmem:s24+$0x8400]  }
0x1f3: {  	v41 =	vld [tilespmem:s24+$0x8410]  }
0x1f4: {  	v36 =	vadd.f32 $0.0e+00, v36;
	v37 =	vadd.f32 $0.0e+00, v37;
	v42 =	vld [tilespmem:s24+$0x8440]  }
0x1f5: {  	v34 =	vadd.f32 $0.0e+00, v34;
	v35 =	vadd.f32 $0.0e+00, v35;
	v43 =	vld [tilespmem:s24+$0x8450]  }
0x1f6: {  	v36 =	vadd.f32 v38, v36;
	v37 =	vadd.f32 v39, v37;
	v38 =	vld [tilespmem:s24+$0x8800]  }
0x1f7: {  	v32 =	vadd.f32 v32, v34;
	v33 =	vadd.f32 v33, v35;
	v34 =	vld [tilespmem:s24+$0x8810]  }
0x1f8: {  	v35 =	vadd.f32 v40, v36;
	v36 =	vadd.f32 v41, v37;
	v37 =	vld [tilespmem:s24+$0x8840]  }
0x1f9: {  	v30 =	vadd.f32 v30, v32;
	v31 =	vadd.f32 v31, v33;
	v32 =	vld [tilespmem:s24+$0x8850]  }
0x1fa: {  	v33 =	vadd.f32 v42, v35;
	v35 =	vadd.f32 v43, v36;
	v36 =	vld [tilespmem:s24+$0x8C00]  }
0x1fb: {  	v28 =	vadd.f32 v28, v30;
	v29 =	vadd.f32 v29, v31;
	v30 =	vld [tilespmem:s24+$0x8C10]  }
0x1fc: {  	v31 =	vadd.f32 v38, v33;
	v33 =	vadd.f32 v34, v35;
	v34 =	vld [tilespmem:s24+$0x8C40]  }
0x1fd: {  	v26 =	vadd.f32 v26, v28;
	v27 =	vadd.f32 v27, v29;
	v28 =	vld [tilespmem:s24+$0x8C50]  }
0x1fe: {  	v29 =	vadd.f32 v37, v31;
	v31 =	vadd.f32 v32, v33;
	v32 =	vld [tilespmem:s24+$0x9000]  }
0x1ff: {  	v24 =	vadd.f32 v24, v26;
	v25 =	vadd.f32 v25, v27;
	v26 =	vld [tilespmem:s24+$0x9010]  }
0x200: {  	v27 =	vadd.f32 v36, v29;
	v29 =	vadd.f32 v30, v31;
	v30 =	vld [tilespmem:s24+$0x9040]  }
0x201: {  	v22 =	vadd.f32 v22, v24;
	v23 =	vadd.f32 v23, v25;
	v24 =	vld [tilespmem:s24+$0x9050]  }
0x202: {  	v25 =	vadd.f32 v34, v27;
	v27 =	vadd.f32 v28, v29;
	v28 =	vld [tilespmem:s24+$0x9400]  }
0x203: {  	s21 =	sadd.s32 $0x1, s21;
	v20 =	vadd.f32 v20, v22;
	v21 =	vadd.f32 v21, v23;
	v22 =	vld [tilespmem:s24+$0x9410]  }
0x204: {  	s28 =	sand.u32 $0x7, s21;
	v23 =	vadd.f32 v32, v25;
	v25 =	vadd.f32 v26, v27;
	v26 =	vld [tilespmem:s24+$0x9440]  }
0x205: {  	s28 =	sshll.u32 s28, $0x7;
	v18 =	vadd.f32 v18, v20;
	v19 =	vadd.f32 v19, v21;
	v20 =	vld [tilespmem:s24+$0x9450]  }
0x206: {  	s28 =	sadd.s32 s28, s22;
	v21 =	vadd.f32 v30, v23;
	v23 =	vadd.f32 v24, v25;
	v24 =	vld [tilespmem:s24+$0x9800]  }
0x207: {  	v16 =	vadd.f32 v16, v18;
	v17 =	vadd.f32 v17, v19;
	v18 =	vld [tilespmem:s24+$0x9810];
	s24 =	sor.u32 $0x1C20, s28  }
0x208: {  	v19 =	vadd.f32 v28, v21;
	v21 =	vadd.f32 v22, v23;
	v22 =	vld [tilespmem:s24+$0x8000];
	s24 =	sor.u32 $0x1C30, s28  }
0x209: {  	s29 =	sor.u32 $0x1C00, s28;
	v14 =	vadd.f32 v14, v16;
	v15 =	vadd.f32 v15, v17;
	v16 =	vld [tilespmem:s24+$0x8000]  }
0x20a: {  	v17 =	vadd.f32 v26, v19;
	s24 =	sor.u32 $0x1C10, s28;
	v19 =	vadd.f32 v20, v21;
	v20 =	vld [tilespmem:s29+$0x8000]  }
0x20b: {  	s25 =	sadd.s32 $0x80, s25;
	s22 =	sadd.s32 $0x400, s22;
	v12 =	vadd.f32 v12, v14;
	v13 =	vadd.f32 v13, v15;
	v14 =	vld [tilespmem:s24+$0x8000];
	s24 =	sor.u32 $0x1C40, s28  }
0x20c: {  	s30 =	sand.u32 $0x380, s25;
	s31 =	sor.u32 $0x1C50, s28;
	s29 =	sand.u32 $0x2000, s22;
	v15 =	vadd.f32 v24, v17;
	v17 =	vadd.f32 v18, v19;
	v18 =	vld [tilespmem:s24+$0x8000]  }
0x20d: {  	v7 =	vadd.f32 v7, v12;
	v9 =	vadd.f32 v9, v13;
	s24 =	sor.u32 s30, s29;
	v12 =	vld [tilespmem:s31+$0x8000]  }
0x20e: {  	v10 =	vadd.f32 v10, v15;
	v13 =	vld [tilespmem:s24+$0x9860];
	v11 =	vadd.f32 v11, v17  }
0x20f: {  	v6 =	vadd.f32 v6, v7;
	v9 =	vadd.f32 v5, v9;
	v5 =	vld [tilespmem:s24+$0x9870]  }
0x210: {  	s28 =	sor.u32 $0x1C58, s28;
	v10 =	vadd.f32 v20, v10;
	v7 =	vld [tilespmem:s24+$0x9820];
	v11 =	vadd.f32 v14, v11  }
0x211: {  	v15 =	vadd.f32 v16, v9;
	v14 =	vadd.f32 v22, v6;
	v16 =	vld [tilespmem:s28+$0x8000]  }
0x212: {  	v17 =	vadd.f32 v18, v10;
	v9 =	vld [tilespmem:s24+$0x9830];
	v12 =	vadd.f32 v12, v11  }
0x213: {  	v10 =	vld [tilespmem:s24+$0x9840];
	v6 =	vmov v13  }
0x214: {  	v14 =	vadd.f32 v15, v14;
	v11 =	vld [tilespmem:s24+$0x9850];
	v17 =	vadd.f32 v12, v17  }
0x215: {  	v12 =	vld [tilespmem:s24+$0x9460]  }
0x216: {  	v13 =	vld [tilespmem:s24+$0x9470];
	v16 =	vmul.f32 v0, v16;
	v17 =	vadd.f32 v17, v14  }
0x217: {  	v14 =	vld [tilespmem:s24+$0x9420]  }
0x218: {  	v15 =	vld [tilespmem:s24+$0x9430];
	v18 =	vadd.f32 v17, v16  }
0x219: {  	v16 =	vld [tilespmem:s24+$0x9060]  }
0x21a: {  	v17 =	vld [tilespmem:s24+$0x9070];
	(xrf2) =	vadd.scan.msk.f32 $0xffff, v18  }
0x21b: {  	v18 =	vld [tilespmem:s24+$0x9020]  }
0x21c: {  	v19 =	vld [tilespmem:s24+$0x9030]  }
0x21d: {  	v20 =	vld [tilespmem:s24+$0x8C60]  }
0x21e: {  	v21 =	vld [tilespmem:s24+$0x8C70]  }
0x21f: {  	v22 =	vld [tilespmem:s24+$0x8C20]  }
0x220: {  	v23 =	vld [tilespmem:s24+$0x8C30]  }
0x221: {  	v24 =	vld [tilespmem:s24+$0x8860]  }
0x222: {  	v25 =	vld [tilespmem:s24+$0x8870]  }
0x223: {  	v26 =	vld [tilespmem:s24+$0x8820]  }
0x224: {  	v29 =	vmov s23;
	s23 =	smov.u32 s26;
	v27 =	vld [tilespmem:s24+$0x8830];
	v30, _, _ =	vpop (xrf2)  }
0x225: {  	vm0 =	veq.s32 v29, v1;
	v28 =	vld [tilespmem:s24+$0x8460];
	v31 =	vbroadcast v30, $0xF  }
0x226: {  	v32 =	vsel vm0, $0x3F800000, v2;
	v29 =	vld [tilespmem:s24+$0x8470]  }
0x227: {  	v30 =	vld [tilespmem:s24+$0x8420];
	v33 =	vmul.f32 v32, v31  }
.Ltmp4:
0x228: {  	v31 =	vld [tilespmem:s24+$0x8430];
	(pc) =	sbr.rel @p1 .LBB2_7-.Ltmp4, $4  }
0x229: {  	v32 =	vld [tilespmem:s24+$0x8060];
	v8 =	vadd.f32 v33, v8  }
0x22a: {  	v33 =	vld [tilespmem:s24+$0x8070]  }
0x22b: {  	v34 =	vld [tilespmem:s24+$0x8020]  }
0x22c: {  	s26 =	sadd.s32 $0x1, s26;
	v35 =	vld [tilespmem:s24+$0x8030]  }
0x22d: {  	v36 =	vld [tilespmem:s24+$0x8000]  }
0x22e: {  	v37 =	vld [tilespmem:s24+$0x8010]  }
0x22f: {  	v38 =	vld [tilespmem:s24+$0x8040]  }
0x230: {  	v39 =	vld [tilespmem:s24+$0x8050]  }
0x231: {  	v40 =	vld [tilespmem:s24+$0x8400]  }
0x232: {  	v41 =	vld [tilespmem:s24+$0x8410];
	v34 =	vadd.f32 $0.0e+00, v34  }
0x233: {  	v42 =	vld [tilespmem:s24+$0x8440];
	v36 =	vadd.f32 $0.0e+00, v36;
	v37 =	vadd.f32 $0.0e+00, v37  }
0x234: {  	v43 =	vld [tilespmem:s24+$0x8450];
	v35 =	vadd.f32 $0.0e+00, v35;
	v32 =	vadd.f32 v32, v34  }
0x235: {  	v52 =	vld [tilespmem:s24+$0x8800];
	v36 =	vadd.f32 v38, v36;
	v37 =	vadd.f32 v39, v37  }
0x236: {  	v53 =	vld [tilespmem:s24+$0x8810];
	v33 =	vadd.f32 v33, v35;
	v30 =	vadd.f32 v30, v32  }
0x237: {  	v56 =	vld [tilespmem:s24+$0x8840];
	v54 =	vadd.f32 v40, v36;
	v55 =	vadd.f32 v41, v37  }
0x238: {  	v57 =	vld [tilespmem:s24+$0x8850];
	v31 =	vadd.f32 v31, v33;
	v28 =	vadd.f32 v28, v30  }
0x239: {  	v60 =	vld [tilespmem:s24+$0x8C00];
	v58 =	vadd.f32 v42, v54;
	v59 =	vadd.f32 v43, v55  }
0x23a: {  	v30 =	vld [tilespmem:s24+$0x8C10];
	v29 =	vadd.f32 v29, v31;
	v26 =	vadd.f32 v26, v28  }
0x23b: {  	v62 =	vld [tilespmem:s24+$0x8C40];
	v31 =	vadd.f32 v52, v58;
	v61 =	vadd.f32 v53, v59  }
0x23c: {  	v28 =	vld [tilespmem:s24+$0x8C50];
	v27 =	vadd.f32 v27, v29;
	v24 =	vadd.f32 v24, v26  }
0x23d: {  	v63 =	vld [tilespmem:s24+$0x9000];
	v29 =	vadd.f32 v56, v31;
	v31 =	vadd.f32 v57, v61  }
0x23e: {  	v26 =	vld [tilespmem:s24+$0x9010];
	v25 =	vadd.f32 v25, v27;
	v22 =	vadd.f32 v22, v24  }
0x23f: {  	v24 =	vld [tilespmem:s24+$0x9050];
	v27 =	vadd.f32 v60, v29;
	v29 =	vadd.f32 v30, v31  }
0x240: {  	v23 =	vadd.f32 v23, v25;
	v30 =	vld [tilespmem:s24+$0x9040];
	v20 =	vadd.f32 v20, v22  }
0x241: {  	v22 =	vld [tilespmem:s24+$0x9410];
	v25 =	vadd.f32 v62, v27;
	v27 =	vadd.f32 v28, v29  }
0x242: {  	s21 =	sadd.s32 $0x1, s21;
	v21 =	vadd.f32 v21, v23;
	v28 =	vld [tilespmem:s24+$0x9400];
	v18 =	vadd.f32 v18, v20  }
0x243: {  	s21 =	sand.u32 $0x7, s21;
	v20 =	vld [tilespmem:s24+$0x9450];
	v23 =	vadd.f32 v63, v25;
	v25 =	vadd.f32 v26, v27  }
0x244: {  	s21 =	sshll.u32 s21, $0x7;
	v19 =	vadd.f32 v19, v21;
	v26 =	vld [tilespmem:s24+$0x9440];
	v16 =	vadd.f32 v16, v18  }
0x245: {  	s21 =	sadd.s32 s21, s22;
	v18 =	vld [tilespmem:s24+$0x9810];
	v21 =	vadd.f32 v30, v23;
	v23 =	vadd.f32 v24, v25  }
0x246: {  	s29 =	sor.u32 $0x1C30, s21;
	v17 =	vadd.f32 v17, v19;
	v24 =	vld [tilespmem:s24+$0x9800];
	v14 =	vadd.f32 v14, v16  }
0x247: {  	s22 =	sor.u32 $0x1C20, s21;
	v16 =	vld [tilespmem:s29+$0x8000];
	v19 =	vadd.f32 v28, v21;
	v21 =	vadd.f32 v22, v23  }
0x248: {  	s31 =	sor.u32 $0x1C10, s21;
	v15 =	vadd.f32 v15, v17;
	v22 =	vld [tilespmem:s22+$0x8000];
	v12 =	vadd.f32 v12, v14  }
0x249: {  	s30 =	sor.u32 $0x1C00, s21;
	v14 =	vld [tilespmem:s31+$0x8000];
	v17 =	vadd.f32 v26, v19;
	v19 =	vadd.f32 v20, v21  }
0x24a: {  	s25 =	sor.u32 $0x1C50, s21;
	v13 =	vadd.f32 v13, v15;
	v20 =	vld [tilespmem:s30+$0x8000];
	v7 =	vadd.f32 v7, v12  }
0x24b: {  	s24 =	sor.u32 $0x1C40, s21;
	v12 =	vld [tilespmem:s25+$0x8000];
	v15 =	vadd.f32 v24, v17;
	v17 =	vadd.f32 v18, v19  }
0x24c: {  	v9 =	vadd.f32 v9, v13;
	v18 =	vld [tilespmem:s24+$0x8000]  }
0x24d: {  	v10 =	vadd.f32 v10, v15;
	v11 =	vadd.f32 v11, v17  }
0x24e: {  	v6 =	vadd.f32 v6, v7;
	v5 =	vadd.f32 v5, v9  }
0x24f: {  	s21 =	sor.u32 $0x1C58, s21;
	v7 =	vadd.f32 v20, v10;
	v9 =	vadd.f32 v14, v11  }
0x250: {  	v6 =	vadd.f32 v22, v6;
	v5 =	vadd.f32 v16, v5;
	v10 =	vld [tilespmem:s21+$0x8000]  }
0x251: {  	v7 =	vadd.f32 v18, v7;
	v9 =	vadd.f32 v12, v9;
	_ =	sdelay $0x1  }
0x252: {  	v5 =	vadd.f32 v5, v6;
	v7 =	vadd.f32 v9, v7;
	_ =	sdelay $0x1  }
0x253: {  	v6 =	vmul.f32 v0, v10;
	v5 =	vadd.f32 v7, v5;
	_ =	sdelay $0x1  }
0x254: {  	v5 =	vadd.f32 v5, v6;
	_ =	sdelay $0x1  }
0x255: {  	(xrf2) =	vadd.scan.msk.f32 $0xffff, v5  }
0x256: {  	v5 =	vld [tilespmem:s19+$0x10020];
	_ =	sdelay $0x4  }
0x257: {  	v6 =	vshll.u32 v5, $0x3  }
0x258: {  	v5 =	vand.u32 $0x7F, v5;
	v6 =	vand.u32 $0xFFFFFC00, v6  }
0x259: {  	v5 =	vor.u32 v5, v6  }
0x25a: {  	v5 =	vadd.s32 v3, v5  }
0x25b: {  	v6 =	vmov s23;
	v7, _, _ =	vpop (xrf2)  }
0x25c: {  	vm0 =	veq.s32 v6, v1;
	v6 =	vbroadcast v7, $0xF  }
0x25d: {  	v7 =	vsel vm0, $0x3F800000, v2  }
0x25e: {  	v6 =	vmul.f32 v7, v6  }
0x25f: {  	v5 =	vld.idx.msk [tilespmem:v5+s12+$0x0], $0xffff  }
0x260: {  	v6 =	vadd.f32 v6, v8;
	_ =	sdelay $0x1  }
0x261: {  	v6 =	vmul.f32 $-1.000000050e-03, v6;
	_ =	sdelay $0x1  }
0x262: {  	s24 =	simm.s32 $0x0;
	v5 =	vadd.f32 v6, v5  }
0x263: {  	s26 =	sor.u32 s24, s24  }
0x264: {  	s21 =	sor.u32 $0x5C00, s26;
	[tilespmem:s19+$0x10220] =	vst v5  }
0x265: {  	s29 =	sand.u32 $0x2000, s24;
	s30 =	sand.u32 $0x380, s24;
	v6 =	vld [tilespmem:s21+$0x8020]  }
0x266: {  	s23 =	sor.u32 s30, s29;
	v7 =	vld [tilespmem:s21+$0x8030]  }
0x267: {  	v8 =	vld [tilespmem:s23+$0xD860]  }
0x268: {  	v9 =	vld [tilespmem:s23+$0xD870]  }
0x269: {  	v10 =	vld [tilespmem:s23+$0xD820]  }
0x26a: {  	v11 =	vld [tilespmem:s23+$0xD830]  }
0x26b: {  	v12 =	vld [tilespmem:s23+$0xD800]  }
0x26c: {  	v13 =	vld [tilespmem:s23+$0xD060]  }
0x26d: {  	v14 =	vld [tilespmem:s23+$0xD070]  }
0x26e: {  	v15 =	vld [tilespmem:s23+$0xD020]  }
0x26f: {  	v17 =	vld [tilespmem:s23+$0xD030]  }
0x270: {  	v16 =	vld [tilespmem:s23+$0xD040]  }
0x271: {  	v18 =	vld [tilespmem:s23+$0xD050]  }
0x272: {  	v19 =	vld [tilespmem:s23+$0xD000]  }
0x273: {  	v20 =	vld [tilespmem:s23+$0xD010]  }
0x274: {  	v21 =	vld [tilespmem:s23+$0xC860]  }
0x275: {  	v22 =	vld [tilespmem:s23+$0xC870]  }
0x276: {  	v24 =	vld [tilespmem:s23+$0xC820]  }
0x277: {  	v26 =	vld [tilespmem:s23+$0xC830]  }
0x278: {  	v23 =	vld [tilespmem:s23+$0xC840]  }
0x279: {  	v25 =	vld [tilespmem:s23+$0xC850]  }
0x27a: {  	v27 =	vld [tilespmem:s23+$0xC800]  }
0x27b: {  	v28 =	vld [tilespmem:s23+$0xC810]  }
0x27c: {  	v29 =	vld [tilespmem:s23+$0xC060]  }
0x27d: {  	v30 =	vld [tilespmem:s23+$0xC070]  }
0x27e: {  	v31 =	vld [tilespmem:s23+$0xC020]  }
0x27f: {  	v33 =	vld [tilespmem:s23+$0xC030]  }
0x280: {  	v32 =	vld [tilespmem:s23+$0xC040]  }
0x281: {  	s22 =	simm.s32 $0x0;
	s31 =	sand.u32 $0xFFFFE000, s24;
	v34 =	vld [tilespmem:s23+$0xC050]  }
0x282: {  	s25 =	simm.s32 $0x1;
	s28 =	sadd.s32 $0x0, s31;
	s26 =	simm.s32 $0x0;
	v5 =	vimm.f32 $0.0e+00;
	v35 =	vld [tilespmem:s23+$0xC000]  }
.LBB2_9:
0x283: {  	p1 =	sne.s32 s25, $0xF;
	v36 =	vld [tilespmem:s23+$0xC010];
	s29 =	sor.u32 $0x4400, s28  }
0x284: {  	v37 =	vld [tilespmem:s29+$0x8060]  }
0x285: {  	v38 =	vld [tilespmem:s29+$0x8020]  }
0x286: {  	v39 =	vld [tilespmem:s29+$0x8030]  }
0x287: {  	v40 =	vld [tilespmem:s29+$0x8000]  }
0x288: {  	v41 =	vld [tilespmem:s29+$0x8010]  }
0x289: {  	v35 =	vadd.f32 $0.0e+00, v35;
	v36 =	vadd.f32 $0.0e+00, v36;
	v42 =	vld [tilespmem:s29+$0x8040]  }
0x28a: {  	v31 =	vadd.f32 $0.0e+00, v31;
	v33 =	vadd.f32 $0.0e+00, v33;
	v43 =	vld [tilespmem:s29+$0x8050]  }
0x28b: {  	v32 =	vadd.f32 v32, v35;
	v34 =	vadd.f32 v34, v36;
	v35 =	vld [tilespmem:s29+$0x8070];
	s29 =	sor.u32 $0x4C00, s28  }
0x28c: {  	v29 =	vadd.f32 v29, v31;
	v30 =	vadd.f32 v30, v33;
	v31 =	vld [tilespmem:s29+$0x8060]  }
0x28d: {  	v32 =	vadd.f32 v40, v32;
	v33 =	vadd.f32 v41, v34;
	v34 =	vld [tilespmem:s29+$0x8020]  }
0x28e: {  	v29 =	vadd.f32 v38, v29;
	v30 =	vadd.f32 v39, v30;
	v36 =	vld [tilespmem:s29+$0x8030]  }
0x28f: {  	v32 =	vadd.f32 v42, v32;
	v33 =	vadd.f32 v43, v33;
	v38 =	vld [tilespmem:s29+$0x8000]  }
0x290: {  	v29 =	vadd.f32 v37, v29;
	v30 =	vadd.f32 v35, v30;
	v35 =	vld [tilespmem:s29+$0x8010]  }
0x291: {  	v27 =	vadd.f32 v27, v32;
	v28 =	vadd.f32 v28, v33;
	v32 =	vld [tilespmem:s29+$0x8040]  }
0x292: {  	v24 =	vadd.f32 v24, v29;
	v26 =	vadd.f32 v26, v30;
	v29 =	vld [tilespmem:s29+$0x8050]  }
0x293: {  	s28 =	sor.u32 $0x5400, s28;
	v23 =	vadd.f32 v23, v27;
	v25 =	vadd.f32 v25, v28;
	v27 =	vld [tilespmem:s29+$0x8070]  }
0x294: {  	v21 =	vadd.f32 v21, v24;
	v22 =	vadd.f32 v22, v26;
	v24 =	vld [tilespmem:s28+$0x8060]  }
0x295: {  	v23 =	vadd.f32 v38, v23;
	v25 =	vadd.f32 v35, v25;
	v26 =	vld [tilespmem:s28+$0x8020]  }
0x296: {  	v21 =	vadd.f32 v34, v21;
	v22 =	vadd.f32 v36, v22;
	v28 =	vld [tilespmem:s28+$0x8030]  }
0x297: {  	v23 =	vadd.f32 v32, v23;
	v25 =	vadd.f32 v29, v25;
	v29 =	vld [tilespmem:s28+$0x8000]  }
0x298: {  	v21 =	vadd.f32 v31, v21;
	v22 =	vadd.f32 v27, v22;
	v27 =	vld [tilespmem:s28+$0x8010]  }
0x299: {  	v19 =	vadd.f32 v19, v23;
	v20 =	vadd.f32 v20, v25;
	v23 =	vld [tilespmem:s28+$0x8040]  }
0x29a: {  	v15 =	vadd.f32 v15, v21;
	v17 =	vadd.f32 v17, v22;
	v21 =	vld [tilespmem:s28+$0x8050]  }
0x29b: {  	v16 =	vadd.f32 v16, v19;
	v18 =	vadd.f32 v18, v20;
	v19 =	vld [tilespmem:s28+$0x8070]  }
0x29c: {  	v13 =	vadd.f32 v13, v15;
	v14 =	vadd.f32 v14, v17;
	v15 =	vld [tilespmem:s23+$0xD810]  }
0x29d: {  	v16 =	vadd.f32 v29, v16;
	v17 =	vadd.f32 v27, v18;
	v18 =	vld [tilespmem:s23+$0xD840]  }
0x29e: {  	v13 =	vadd.f32 v26, v13;
	v14 =	vadd.f32 v28, v14;
	v20 =	vld [tilespmem:s23+$0xD850]  }
0x29f: {  	v16 =	vadd.f32 v23, v16;
	v17 =	vadd.f32 v21, v17;
	v21 =	vld [tilespmem:s21+$0x8000]  }
0x2a0: {  	v13 =	vadd.f32 v24, v13;
	v14 =	vadd.f32 v19, v14;
	v19 =	vld [tilespmem:s21+$0x8010]  }
0x2a1: {  	s24 =	sadd.s32 $0x80, s24;
	s26 =	sadd.s32 $0x400, s26;
	v12 =	vadd.f32 v12, v16;
	v15 =	vadd.f32 v15, v17;
	v16 =	vld [tilespmem:s21+$0x8040]  }
0x2a2: {  	s23 =	sor.u32 s26, s24;
	v10 =	vadd.f32 v10, v13;
	v11 =	vadd.f32 v11, v14;
	v13 =	vld [tilespmem:s21+$0x8050]  }
0x2a3: {  	v12 =	vadd.f32 v18, v12;
	v14 =	vadd.f32 v20, v15;
	v15 =	vld [tilespmem:s21+$0x8058];
	s21 =	sor.u32 $0x5C00, s23  }
0x2a4: {  	s28 =	sand.u32 $0x380, s24;
	v10 =	vadd.f32 v8, v10;
	s23 =	sand.u32 $0x2000, s26;
	v17 =	vld [tilespmem:s21+$0x8020];
	v9 =	vadd.f32 v9, v11  }
0x2a5: {  	s23 =	sor.u32 s28, s23;
	v11 =	vadd.f32 v21, v12;
	v18 =	vld [tilespmem:s21+$0x8030];
	v12 =	vadd.f32 v19, v14  }
0x2a6: {  	v19 =	vadd.f32 v6, v10;
	v8 =	vld [tilespmem:s23+$0xD860];
	v7 =	vadd.f32 v7, v9  }
0x2a7: {  	v14 =	vadd.f32 v16, v11;
	v9 =	vld [tilespmem:s23+$0xD870];
	v12 =	vadd.f32 v13, v12  }
0x2a8: {  	v10 =	vld [tilespmem:s23+$0xD820]  }
0x2a9: {  	v16 =	vadd.f32 v7, v19;
	v11 =	vld [tilespmem:s23+$0xD830];
	v14 =	vadd.f32 v12, v14;
	v6 =	vmov v17  }
0x2aa: {  	v12 =	vld [tilespmem:s23+$0xD800];
	v7 =	vmov v18  }
0x2ab: {  	v17 =	vmul.f32 v0, v15;
	v13 =	vld [tilespmem:s23+$0xD060];
	v16 =	vadd.f32 v14, v16  }
0x2ac: {  	v14 =	vld [tilespmem:s23+$0xD070]  }
0x2ad: {  	v15 =	vld [tilespmem:s23+$0xD020];
	v18 =	vadd.f32 v16, v17  }
0x2ae: {  	v17 =	vld [tilespmem:s23+$0xD030]  }
0x2af: {  	v16 =	vld [tilespmem:s23+$0xD040];
	(xrf2) =	vadd.scan.msk.f32 $0xffff, v18  }
0x2b0: {  	v18 =	vld [tilespmem:s23+$0xD050]  }
0x2b1: {  	v19 =	vld [tilespmem:s23+$0xD000]  }
0x2b2: {  	v20 =	vld [tilespmem:s23+$0xD010]  }
0x2b3: {  	v21 =	vld [tilespmem:s23+$0xC860]  }
0x2b4: {  	v22 =	vld [tilespmem:s23+$0xC870]  }
0x2b5: {  	v24 =	vld [tilespmem:s23+$0xC820]  }
0x2b6: {  	v26 =	vld [tilespmem:s23+$0xC830]  }
0x2b7: {  	v23 =	vld [tilespmem:s23+$0xC840]  }
0x2b8: {  	v25 =	vld [tilespmem:s23+$0xC850]  }
0x2b9: {  	v29 =	vmov s22;
	s22 =	smov.u32 s25;
	v27 =	vld [tilespmem:s23+$0xC800];
	v30, _, _ =	vpop (xrf2)  }
0x2ba: {  	vm0 =	veq.s32 v29, v1;
	v28 =	vld [tilespmem:s23+$0xC810];
	v31 =	vbroadcast v30, $0xF  }
0x2bb: {  	v32 =	vsel vm0, $0x3F800000, v2;
	v29 =	vld [tilespmem:s23+$0xC060]  }
0x2bc: {  	v30 =	vld [tilespmem:s23+$0xC070];
	v32 =	vmul.f32 v32, v31  }
.Ltmp5:
0x2bd: {  	v31 =	vld [tilespmem:s23+$0xC020];
	(pc) =	sbr.rel @p1 .LBB2_9-.Ltmp5, $4  }
0x2be: {  	v33 =	vld [tilespmem:s23+$0xC030];
	v5 =	vadd.f32 v32, v5  }
0x2bf: {  	v32 =	vld [tilespmem:s23+$0xC040]  }
0x2c0: {  	s28 =	sand.u32 $0xFFFFE000, s26;
	v34 =	vld [tilespmem:s23+$0xC050]  }
0x2c1: {  	s25 =	sadd.s32 $0x1, s25;
	s28 =	sadd.s32 s28, s24;
	v35 =	vld [tilespmem:s23+$0xC000]  }
0x2c2: {  	v36 =	vld [tilespmem:s23+$0xC010];
	s24 =	sor.u32 $0x4400, s28  }
0x2c3: {  	v37 =	vld [tilespmem:s24+$0x8060]  }
0x2c4: {  	v38 =	vld [tilespmem:s24+$0x8020]  }
0x2c5: {  	v39 =	vld [tilespmem:s24+$0x8030]  }
0x2c6: {  	v40 =	vld [tilespmem:s24+$0x8000]  }
0x2c7: {  	v41 =	vld [tilespmem:s24+$0x8010]  }
0x2c8: {  	v42 =	vld [tilespmem:s24+$0x8040];
	v35 =	vadd.f32 $0.0e+00, v35;
	v36 =	vadd.f32 $0.0e+00, v36  }
0x2c9: {  	v31 =	vadd.f32 $0.0e+00, v31;
	v33 =	vadd.f32 $0.0e+00, v33;
	v43 =	vld [tilespmem:s24+$0x8050]  }
0x2ca: {  	s30 =	sor.u32 $0x4C00, s28;
	v56 =	vld [tilespmem:s24+$0x8070];
	v32 =	vadd.f32 v32, v35;
	v34 =	vadd.f32 v34, v36  }
0x2cb: {  	v57 =	vld [tilespmem:s30+$0x8060];
	v29 =	vadd.f32 v29, v31;
	v30 =	vadd.f32 v30, v33  }
0x2cc: {  	v59 =	vld [tilespmem:s30+$0x8020];
	v32 =	vadd.f32 v40, v32;
	v58 =	vadd.f32 v41, v34  }
0x2cd: {  	v60 =	vld [tilespmem:s30+$0x8030];
	v29 =	vadd.f32 v38, v29;
	v30 =	vadd.f32 v39, v30  }
0x2ce: {  	v61 =	vld [tilespmem:s30+$0x8000];
	v32 =	vadd.f32 v42, v32;
	v33 =	vadd.f32 v43, v58  }
0x2cf: {  	v62 =	vld [tilespmem:s30+$0x8010];
	v29 =	vadd.f32 v37, v29;
	v30 =	vadd.f32 v56, v30  }
0x2d0: {  	v63 =	vld [tilespmem:s30+$0x8040];
	v27 =	vadd.f32 v27, v32;
	v28 =	vadd.f32 v28, v33  }
0x2d1: {  	v37 =	vld [tilespmem:s30+$0x8050];
	v24 =	vadd.f32 v24, v29;
	v26 =	vadd.f32 v26, v30  }
0x2d2: {  	s31 =	sor.u32 $0x5400, s28;
	v39 =	vld [tilespmem:s30+$0x8070];
	v23 =	vadd.f32 v23, v27;
	v25 =	vadd.f32 v25, v28  }
0x2d3: {  	v44 =	vld [tilespmem:s31+$0x8010];
	v21 =	vadd.f32 v21, v24;
	v22 =	vadd.f32 v22, v26  }
0x2d4: {  	v45 =	vld [tilespmem:s31+$0x8040];
	v23 =	vadd.f32 v61, v23;
	v25 =	vadd.f32 v62, v25  }
0x2d5: {  	v46 =	vld [tilespmem:s31+$0x8050];
	v21 =	vadd.f32 v59, v21;
	v22 =	vadd.f32 v60, v22  }
0x2d6: {  	v41 =	vld [tilespmem:s31+$0x8020];
	v23 =	vadd.f32 v63, v23;
	v25 =	vadd.f32 v37, v25  }
0x2d7: {  	v43 =	vld [tilespmem:s31+$0x8000];
	v21 =	vadd.f32 v57, v21;
	v22 =	vadd.f32 v39, v22  }
0x2d8: {  	v42 =	vld [tilespmem:s31+$0x8030];
	v19 =	vadd.f32 v19, v23;
	v20 =	vadd.f32 v20, v25  }
0x2d9: {  	v47 =	vld [tilespmem:s31+$0x8070];
	v15 =	vadd.f32 v15, v21;
	v17 =	vadd.f32 v17, v22  }
0x2da: {  	v40 =	vld [tilespmem:s31+$0x8060];
	v16 =	vadd.f32 v16, v19;
	v18 =	vadd.f32 v18, v20  }
0x2db: {  	v48 =	vld [tilespmem:s23+$0xD810];
	v13 =	vadd.f32 v13, v15;
	v14 =	vadd.f32 v14, v17  }
0x2dc: {  	v50 =	vld [tilespmem:s23+$0xD840];
	v16 =	vadd.f32 v43, v16;
	v49 =	vadd.f32 v44, v18  }
0x2dd: {  	v51 =	vld [tilespmem:s23+$0xD850];
	v13 =	vadd.f32 v41, v13;
	v14 =	vadd.f32 v42, v14  }
0x2de: {  	v52 =	vld [tilespmem:s21+$0x8000];
	v16 =	vadd.f32 v45, v16;
	v17 =	vadd.f32 v46, v49  }
0x2df: {  	v53 =	vld [tilespmem:s21+$0x8010];
	v13 =	vadd.f32 v40, v13;
	v14 =	vadd.f32 v47, v14  }
0x2e0: {  	v54 =	vld [tilespmem:s21+$0x8040];
	v12 =	vadd.f32 v12, v16;
	v15 =	vadd.f32 v48, v17  }
0x2e1: {  	v55 =	vld [tilespmem:s21+$0x8050];
	v10 =	vadd.f32 v10, v13;
	v11 =	vadd.f32 v11, v14  }
0x2e2: {  	v12 =	vadd.f32 v50, v12;
	v56 =	vadd.f32 v51, v15  }
0x2e3: {  	v8 =	vadd.f32 v8, v10;
	v9 =	vadd.f32 v9, v11  }
0x2e4: {  	v57 =	vadd.f32 v52, v12;
	v58 =	vadd.f32 v53, v56  }
0x2e5: {  	v59 =	vld [tilespmem:s21+$0x8058];
	v6 =	vadd.f32 v6, v8;
	v7 =	vadd.f32 v7, v9  }
0x2e6: {  	v60 =	vadd.f32 v54, v57;
	v61 =	vadd.f32 v55, v58;
	_ =	sdelay $0x1  }
0x2e7: {  	v6 =	vadd.f32 v7, v6;
	v8 =	vadd.f32 v61, v60;
	_ =	sdelay $0x1  }
0x2e8: {  	v7 =	vmul.f32 v0, v59;
	v6 =	vadd.f32 v8, v6;
	_ =	sdelay $0x1  }
0x2e9: {  	v6 =	vadd.f32 v6, v7;
	_ =	sdelay $0x1  }
0x2ea: {  	(xrf2) =	vadd.scan.msk.f32 $0xffff, v6  }
0x2eb: {  	v6 =	vld [tilespmem:s19+$0x10030];
	_ =	sdelay $0x4  }
0x2ec: {  	v7 =	vshll.u32 v6, $0x3  }
0x2ed: {  	v6 =	vand.u32 $0x7F, v6;
	v7 =	vand.u32 $0xFFFFFC00, v7  }
0x2ee: {  	v6 =	vor.u32 v6, v7  }
0x2ef: {  	v6 =	vadd.s32 v4, v6  }
0x2f0: {  	v7 =	vmov s22;
	v62, _, _ =	vpop (xrf2)  }
0x2f1: {  	vm0 =	veq.s32 v7, v1;
	v7 =	vbroadcast v62, $0xF  }
0x2f2: {  	v63 =	vsel vm0, $0x3F800000, v2  }
0x2f3: {  	v7 =	vmul.f32 v63, v7  }
0x2f4: {  	v6 =	vld.idx.msk [tilespmem:v6+s12+$0x0], $0xffff  }
0x2f5: {  	v5 =	vadd.f32 v7, v5;
	_ =	sdelay $0x1  }
.Ltmp6:
0x2f6: {  	v5 =	vmul.f32 $-1.000000050e-03, v5;
	(pc) =	sbr.rel @p0 .LBB2_12-.Ltmp6, $3  }
0x2f7: {  	_ = 	snop  }
0x2f8: {  	v5 =	vadd.f32 v5, v6;
	_ =	sdelay $0x1  }
0x2f9: {  	[tilespmem:s19+$0x10230] =	vst v5  }
.Ltmp7:
0x2fa: {  	(pc) =	sbr.rel .LBB2_2-.Ltmp7, $3  }
0x2fb: {  	_ =	sdelay $0x1  }
0x2fc: {  	s19 =	sadd.s32 s20, s7;
	s18 =	sadd.s32 $0x1, s18  }
0x2fd: {  	[tilespmem:s12], [sflag:$0x2] =	stream.linear.gather [hbm4b:s19+s2], $0x8000, $0x38;
	[tilespmem:$0x10400] =	vst v63  }
.LBB2_13:
0x2fe: {  	_ =	sfence.sel $0x180000  }
0x2ff: {  	[bflag:$0x0] =	sbarrier.arrive $0xFFFF  }
0x300: {  	p0 =	sne.s32 s1, $0x0;
	_ =	strace $0x90000047  }
0x301: {  	s0 =	sadd.s32 @!p0 $0x100000, s0;
	[bflag:$0x2] =	sbarrier.arrive $0xFFFF  }
0x302: {  	[sflag:s0] =	ssyncadd.tile.s32 @!p0 $0x1;
	_ =	shalt  }
.Lfunc_end2:
_tile_overlayer_lowered:
.L_overlay_start_2:
0x303: {  	(tag) =	ssettag $0x2  }
0x304: {  	s0 =	rddreg [dreg:$0x0];
	s2 =	stileid.u32  }
0x305: {  	s1 =	rddreg [dreg:$0x1];
	p0 =	sne.s32 s2, $0x0  }
0x306: {  	s3 =	rddreg [dreg:$0x2];
	[bflag:$0x3] =	sbarrier.arrive $0xFFFF;
	s2 =	simm.s32 @!p0 $0x1C04  }
0x307: {  	[timem:s3], [sflag:s2] =	dma.local @!p0 [hbm:s0], s1  }
0x308: {  	s0 =	simm.s32 @!p0 $0x4  }
0x309: {  	_ =	swait.ge @!p0 [sflag:s0], s1  }
0x30a: {  	s1 =	ssub.s32 @!p0 $0x0, s1;
	[sflag:s0] =	ssyncset.done @!p0 $0x0  }
0x30b: {  	[sflag:s0] =	ssyncadd.s32 @!p0 s1  }
0x30c: {  	[bflag:$0x3] =	sbarrier.arrive $0xFFFF  }
0x30d: {  	_ =	shalt  }

</sc_bundles>
